<compile_context>
chip_gen: v7x
topology: tpu7x:2x2x1
jax: 0.10.2.dev20260603
libtpu: 0.0.44.dev20260713+nightly
codegen_flags: <defaults>
</compile_context>

<pallas_src>
import functools

import jax
import jax.numpy as jnp
from jax import lax
from jax.experimental import pallas as pl
from jax.experimental.pallas import tpu as pltpu
from jax.experimental.pallas import tpu_sc as plsc

_LANES = 16
_CHUNK = 128


def _make_sc_kernel(batch, embed, nc, ns):
    num_workers = nc * ns
    b_per_w = batch // num_workers
    n_chunks = b_per_w // _CHUNK
    n_streams = embed * n_chunks
    mesh = plsc.VectorSubcoreMesh(core_axis_name="c", subcore_axis_name="s")

    @functools.partial(
        pl.kernel,
        mesh=mesh,
        out_type=jax.ShapeDtypeStruct((batch,), jnp.float32),
        compiler_params=pltpu.CompilerParams(
            needs_layout_passes=False, use_tc_tiling_on_sc=False),
        scratch_types=[
            pltpu.VMEM((b_per_w,), jnp.int32),
            pltpu.VMEM((b_per_w,), jnp.int32),
            pltpu.VMEM((embed * b_per_w,), jnp.float32),
            pltpu.VMEM((embed * b_per_w,), jnp.float32),
            pltpu.VMEM((b_per_w,), jnp.float32),
            pltpu.VMEM((b_per_w,), jnp.float32),
            pltpu.VMEM((_LANES,), jnp.float32),
            pltpu.VMEM((b_per_w,), jnp.float32),
            pltpu.SemaphoreType.DMA,
            pltpu.SemaphoreType.DMA,
        ],
    )
    def k(uids_r, mids_r, ue_r, me_r, ub_r, mb_r, gb_r, out_r,
          uid_v, mid_v, du, dm, bu, bm, gb_v, out_v, sem_t, sem_b):
        wid = lax.axis_index("c") * ns + lax.axis_index("s")
        base = wid * b_per_w

        pltpu.sync_copy(uids_r.at[pl.ds(base, b_per_w)], uid_v)
        pltpu.sync_copy(mids_r.at[pl.ds(base, b_per_w)], mid_v)
        pltpu.sync_copy(gb_r, gb_v)

        for j in range(n_chunks):
            sl = pl.ds(j * _CHUNK, _CHUNK)
            pltpu.make_async_copy(ub_r.at[uid_v.at[sl]], bu.at[sl], sem_b).start()
            pltpu.make_async_copy(mb_r.at[mid_v.at[sl]], bm.at[sl], sem_b).start()

        def fire(s, carry):
            d = s >> 2
            j = s & (n_chunks - 1)
            sl = pl.ds(j * _CHUNK, _CHUNK)
            dst = pl.ds(s * _CHUNK, _CHUNK)
            pltpu.make_async_copy(ue_r.at[d].at[uid_v.at[sl]], du.at[dst], sem_t).start()
            pltpu.make_async_copy(me_r.at[d].at[mid_v.at[sl]], dm.at[dst], sem_t).start()
            return carry

        lax.fori_loop(0, n_streams, fire, 0)

        def drain(s, carry):
            d = s >> 2
            j = s & (n_chunks - 1)
            sl = pl.ds(j * _CHUNK, _CHUNK)
            dst = pl.ds(s * _CHUNK, _CHUNK)
            pltpu.make_async_copy(ue_r.at[d].at[uid_v.at[sl]], du.at[dst], sem_t).wait()
            pltpu.make_async_copy(me_r.at[d].at[mid_v.at[sl]], dm.at[dst], sem_t).wait()
            return carry

        lax.fori_loop(0, n_streams, drain, 0)
        for j in range(n_chunks):
            sl = pl.ds(j * _CHUNK, _CHUNK)
            pltpu.make_async_copy(ub_r.at[uid_v.at[sl]], bu.at[sl], sem_b).wait()
            pltpu.make_async_copy(mb_r.at[mid_v.at[sl]], bm.at[sl], sem_b).wait()

        gb = gb_v[...]

        def dot(g16, carry):
            off = g16 * _LANES
            acc = bu[pl.ds(off, _LANES)] + bm[pl.ds(off, _LANES)] + gb
            for d in range(embed):
                acc = acc + (du[pl.ds(d * b_per_w + off, _LANES)]
                             * dm[pl.ds(d * b_per_w + off, _LANES)])
            out_v[pl.ds(off, _LANES)] = acc
            return carry

        lax.fori_loop(0, b_per_w // _LANES, dot, 0)

        pltpu.sync_copy(out_v, out_r.at[pl.ds(base, b_per_w)])

    return k


def kernel(user_ids, movie_ids, user_embedding, movie_embedding,
           user_bias, movie_bias, global_bias):
    batch = user_ids.shape[0]
    embed = user_embedding.shape[1]
    info = plsc.get_sparse_core_info()
    nc, ns = info.num_cores, info.num_subcores

    k = _make_sc_kernel(batch, embed, nc, ns)
    gb16 = jnp.broadcast_to(jnp.reshape(global_bias, (1,)),
                            (_LANES,)).astype(jnp.float32)
    ue_t, me_t = lax.optimization_barrier(
        (user_embedding.T, movie_embedding.T))
    return k(user_ids.astype(jnp.int32), movie_ids.astype(jnp.int32),
             ue_t, me_t,
             user_bias.reshape(-1), movie_bias.reshape(-1), gb16)

# --- scband reference (transcript-rebuilt; emitter-appended) ---
"""Pipeline reference for scband-matrix-factorization-3908420239657 (READ-ONLY COPY).

The authoritative reference and input builder live on the scoring server;
editing this copy changes nothing except your own understanding.
"""

import jax, jax.numpy as jnp
import numpy as np

NUM_USERS = 1000000
NUM_MOVIES = 100000
EMBED_DIM = 64
BATCH = 16384


def setup_inputs(seed: int = 0) -> dict:
    key = jax.random.key(seed)
    k1, k2, k3, k4, k5, k6 = jax.random.split(key, 6)
    user_ids = jax.random.randint(k1, (BATCH,), 0, NUM_USERS, dtype=jnp.int64 if jax.config.jax_enable_x64 else jnp.int32)
    movie_ids = jax.random.randint(k2, (BATCH,), 0, NUM_MOVIES, dtype=jnp.int64 if jax.config.jax_enable_x64 else jnp.int32)
    user_embedding = jax.random.normal(k3, (NUM_USERS, EMBED_DIM), dtype=jnp.float32)
    movie_embedding = jax.random.normal(k4, (NUM_MOVIES, EMBED_DIM), dtype=jnp.float32)
    user_bias = jax.random.normal(k5, (NUM_USERS, 1), dtype=jnp.float32)
    movie_bias = jax.random.normal(k6, (NUM_MOVIES, 1), dtype=jnp.float32)
    global_bias = jnp.array(0.0, dtype=jnp.float32)
    return {
        "user_ids": user_ids,
        "movie_ids": movie_ids,
        "user_embedding": user_embedding,
        "movie_embedding": movie_embedding,
        "user_bias": user_bias,
        "movie_bias": movie_bias,
        "global_bias": global_bias,
    }


def reference(user_ids, movie_ids, user_embedding, movie_embedding, user_bias, movie_bias, global_bias):
    user_emb = jnp.take(user_embedding, user_ids, axis=0)          # [B, D]
    movie_emb = jnp.take(movie_embedding, movie_ids, axis=0)       # [B, D]
    u_bias = jnp.take(user_bias, user_ids, axis=0).squeeze(-1)     # [B]
    m_bias = jnp.take(movie_bias, movie_ids, axis=0).squeeze(-1)   # [B]
    interaction = (user_emb * movie_emb).sum(axis=1)                # [B]
    return interaction + u_bias + m_bias + global_bias

if __name__ == "__main__":
    import jax
    _d = setup_inputs()
    print(jax.jit(kernel)(*tuple(_d.values())))

</pallas_src>

<mosaic_0001>
#map = affine_map<(d0, d1) -> (0)>
#map1 = affine_map<(d0, d1) -> (0, 0)>
module attributes {stable_mosaic.version = 14 : i64} {
  func.func @k(%arg0: i32, %arg1: i32, %arg2: memref<16384xi32, #tpu.memory_space<hbm>>, %arg3: memref<16384xi32, #tpu.memory_space<hbm>>, %arg4: memref<64x1000000xf32, #tpu.memory_space<hbm>>, %arg5: memref<64x100000xf32, #tpu.memory_space<hbm>>, %arg6: memref<1000000xf32, #tpu.memory_space<hbm>>, %arg7: memref<100000xf32, #tpu.memory_space<hbm>>, %arg8: memref<16xf32, #tpu.memory_space<hbm>>, %arg9: memref<16384xf32, #tpu.memory_space<hbm>>, %arg10: memref<512xi32, #tpu.memory_space<vmem>>, %arg11: memref<512xi32, #tpu.memory_space<vmem>>, %arg12: memref<32768xf32, #tpu.memory_space<vmem>>, %arg13: memref<32768xf32, #tpu.memory_space<vmem>>, %arg14: memref<512xf32, #tpu.memory_space<vmem>>, %arg15: memref<512xf32, #tpu.memory_space<vmem>>, %arg16: memref<16xf32, #tpu.memory_space<vmem>>, %arg17: memref<512xf32, #tpu.memory_space<vmem>>, %arg18: memref<!tpu.dma_semaphore, #tpu.memory_space<semaphore_mem>>, %arg19: memref<!tpu.dma_semaphore, #tpu.memory_space<semaphore_mem>>) attributes {dimension_semantics = [#tpu.dimension_semantics<core_parallel>, #tpu.dimension_semantics<subcore_parallel>], iteration_bounds = array<i64: 2, 16>, scalar_prefetch = 0 : i64, scratch_operands = 10 : i64, tpu.core_type = #tpu.core_type<sc_vector_subcore>, window_params = [{transform_indices = #map}, {transform_indices = #map}, {transform_indices = #map1}, {transform_indices = #map1}, {transform_indices = #map}, {transform_indices = #map}, {transform_indices = #map}, {transform_indices = #map}]} {
    %mul3A = arith.constant 16 : i32
    %mul3A_0 = arith.muli %arg0, %mul3A : i32
    %add3A = arith.addi %mul3A_0, %arg1 : i32
    %mul3A_1 = arith.constant 512 : i32
    %mul3A_2 = arith.muli %add3A, %mul3A_1 : i32
    "tpu.region"() ({
      %run_scoped3A = tpu.sem_alloc : memref<!tpu.dma_semaphore, #tpu.memory_space<semaphore_mem>>
      %dma_start3A_115 = tpu.memref_slice %arg2[%mul3A_2] : memref<16384xi32, #tpu.memory_space<hbm>> -> memref<512xi32, #tpu.memory_space<hbm>>
      %dma_start3A_116 = tpu.memref_slice %arg2[%mul3A_2] : memref<16384xi32, #tpu.memory_space<hbm>> -> memref<512xi32, #tpu.memory_space<hbm>>
      tpu.enqueue_dma source(%dma_start3A_116 : memref<512xi32, #tpu.memory_space<hbm>>) target(%arg10 : memref<512xi32, #tpu.memory_space<vmem>>) target_semaphore(%run_scoped3A : memref<!tpu.dma_semaphore, #tpu.memory_space<semaphore_mem>>)
      %dma_wait3A_117 = tpu.memref_slice %arg2[%mul3A_2] : memref<16384xi32, #tpu.memory_space<hbm>> -> memref<512xi32, #tpu.memory_space<hbm>>
      %dma_wait3A_118 = tpu.memref_slice %arg2[%mul3A_2] : memref<16384xi32, #tpu.memory_space<hbm>> -> memref<512xi32, #tpu.memory_space<hbm>>
      tpu.wait_dma2 semaphore(%run_scoped3A : memref<!tpu.dma_semaphore, #tpu.memory_space<semaphore_mem>>) src(%dma_wait3A_118 : memref<512xi32, #tpu.memory_space<hbm>>) dst(%arg10 : memref<512xi32, #tpu.memory_space<vmem>>)
      tpu.yield
    }) : () -> ()
    "tpu.region"() ({
      %run_scoped3A = tpu.sem_alloc : memref<!tpu.dma_semaphore, #tpu.memory_space<semaphore_mem>>
      %dma_start3A_115 = tpu.memref_slice %arg3[%mul3A_2] : memref<16384xi32, #tpu.memory_space<hbm>> -> memref<512xi32, #tpu.memory_space<hbm>>
      %dma_start3A_116 = tpu.memref_slice %arg3[%mul3A_2] : memref<16384xi32, #tpu.memory_space<hbm>> -> memref<512xi32, #tpu.memory_space<hbm>>
      tpu.enqueue_dma source(%dma_start3A_116 : memref<512xi32, #tpu.memory_space<hbm>>) target(%arg11 : memref<512xi32, #tpu.memory_space<vmem>>) target_semaphore(%run_scoped3A : memref<!tpu.dma_semaphore, #tpu.memory_space<semaphore_mem>>)
      %dma_wait3A_117 = tpu.memref_slice %arg3[%mul3A_2] : memref<16384xi32, #tpu.memory_space<hbm>> -> memref<512xi32, #tpu.memory_space<hbm>>
      %dma_wait3A_118 = tpu.memref_slice %arg3[%mul3A_2] : memref<16384xi32, #tpu.memory_space<hbm>> -> memref<512xi32, #tpu.memory_space<hbm>>
      tpu.wait_dma2 semaphore(%run_scoped3A : memref<!tpu.dma_semaphore, #tpu.memory_space<semaphore_mem>>) src(%dma_wait3A_118 : memref<512xi32, #tpu.memory_space<hbm>>) dst(%arg11 : memref<512xi32, #tpu.memory_space<vmem>>)
      tpu.yield
    }) : () -> ()
    "tpu.region"() ({
      %run_scoped3A = tpu.sem_alloc : memref<!tpu.dma_semaphore, #tpu.memory_space<semaphore_mem>>
      tpu.enqueue_dma source(%arg8 : memref<16xf32, #tpu.memory_space<hbm>>) target(%arg16 : memref<16xf32, #tpu.memory_space<vmem>>) target_semaphore(%run_scoped3A : memref<!tpu.dma_semaphore, #tpu.memory_space<semaphore_mem>>)
      tpu.wait_dma2 semaphore(%run_scoped3A : memref<!tpu.dma_semaphore, #tpu.memory_space<semaphore_mem>>) src(%arg8 : memref<16xf32, #tpu.memory_space<hbm>>) dst(%arg16 : memref<16xf32, #tpu.memory_space<vmem>>)
      tpu.yield
    }) : () -> ()
    %dma_start3A = arith.constant 0 : i32
    %dma_start3A_3 = tpu.memref_slice %arg14[%dma_start3A] : memref<512xf32, #tpu.memory_space<vmem>> -> memref<128xf32, #tpu.memory_space<vmem>>
    %dma_start3A_4 = arith.constant 0 : i32
    %dma_start3A_5 = tpu.memref_slice %arg10[%dma_start3A_4] : memref<512xi32, #tpu.memory_space<vmem>> -> memref<128xi32, #tpu.memory_space<vmem>>
    %dma_start3A_6 = arith.constant 0 : i32
    %dma_start3A_7 = tpu.memref_slice %arg6[%dma_start3A_6] : memref<1000000xf32, #tpu.memory_space<hbm>> -> memref<1000000xf32, #tpu.memory_space<hbm>>
    tpu.enqueue_indirect_dma source(%dma_start3A_7 : memref<1000000xf32, #tpu.memory_space<hbm>>) target(%dma_start3A_3 : memref<128xf32, #tpu.memory_space<vmem>>) offsets(%dma_start3A_5 : memref<128xi32, #tpu.memory_space<vmem>>) semaphore(%arg19 : memref<!tpu.dma_semaphore, #tpu.memory_space<semaphore_mem>>)
    %dma_start3A_8 = arith.constant 0 : i32
    %dma_start3A_9 = tpu.memref_slice %arg15[%dma_start3A_8] : memref<512xf32, #tpu.memory_space<vmem>> -> memref<128xf32, #tpu.memory_space<vmem>>
    %dma_start3A_10 = arith.constant 0 : i32
    %dma_start3A_11 = tpu.memref_slice %arg11[%dma_start3A_10] : memref<512xi32, #tpu.memory_space<vmem>> -> memref<128xi32, #tpu.memory_space<vmem>>
    %dma_start3A_12 = arith.constant 0 : i32
    %dma_start3A_13 = tpu.memref_slice %arg7[%dma_start3A_12] : memref<100000xf32, #tpu.memory_space<hbm>> -> memref<100000xf32, #tpu.memory_space<hbm>>
    tpu.enqueue_indirect_dma source(%dma_start3A_13 : memref<100000xf32, #tpu.memory_space<hbm>>) target(%dma_start3A_9 : memref<128xf32, #tpu.memory_space<vmem>>) offsets(%dma_start3A_11 : memref<128xi32, #tpu.memory_space<vmem>>) semaphore(%arg19 : memref<!tpu.dma_semaphore, #tpu.memory_space<semaphore_mem>>)
    %dma_start3A_14 = arith.constant 128 : i32
    %dma_start3A_15 = tpu.memref_slice %arg14[%dma_start3A_14] : memref<512xf32, #tpu.memory_space<vmem>> -> memref<128xf32, #tpu.memory_space<vmem>>
    %dma_start3A_16 = arith.constant 128 : i32
    %dma_start3A_17 = tpu.memref_slice %arg10[%dma_start3A_16] : memref<512xi32, #tpu.memory_space<vmem>> -> memref<128xi32, #tpu.memory_space<vmem>>
    %dma_start3A_18 = arith.constant 0 : i32
    %dma_start3A_19 = tpu.memref_slice %arg6[%dma_start3A_18] : memref<1000000xf32, #tpu.memory_space<hbm>> -> memref<1000000xf32, #tpu.memory_space<hbm>>
    tpu.enqueue_indirect_dma source(%dma_start3A_19 : memref<1000000xf32, #tpu.memory_space<hbm>>) target(%dma_start3A_15 : memref<128xf32, #tpu.memory_space<vmem>>) offsets(%dma_start3A_17 : memref<128xi32, #tpu.memory_space<vmem>>) semaphore(%arg19 : memref<!tpu.dma_semaphore, #tpu.memory_space<semaphore_mem>>)
    %dma_start3A_20 = arith.constant 128 : i32
    %dma_start3A_21 = tpu.memref_slice %arg15[%dma_start3A_20] : memref<512xf32, #tpu.memory_space<vmem>> -> memref<128xf32, #tpu.memory_space<vmem>>
    %dma_start3A_22 = arith.constant 128 : i32
    %dma_start3A_23 = tpu.memref_slice %arg11[%dma_start3A_22] : memref<512xi32, #tpu.memory_space<vmem>> -> memref<128xi32, #tpu.memory_space<vmem>>
    %dma_start3A_24 = arith.constant 0 : i32
    %dma_start3A_25 = tpu.memref_slice %arg7[%dma_start3A_24] : memref<100000xf32, #tpu.memory_space<hbm>> -> memref<100000xf32, #tpu.memory_space<hbm>>
    tpu.enqueue_indirect_dma source(%dma_start3A_25 : memref<100000xf32, #tpu.memory_space<hbm>>) target(%dma_start3A_21 : memref<128xf32, #tpu.memory_space<vmem>>) offsets(%dma_start3A_23 : memref<128xi32, #tpu.memory_space<vmem>>) semaphore(%arg19 : memref<!tpu.dma_semaphore, #tpu.memory_space<semaphore_mem>>)
    %dma_start3A_26 = arith.constant 256 : i32
    %dma_start3A_27 = tpu.memref_slice %arg14[%dma_start3A_26] : memref<512xf32, #tpu.memory_space<vmem>> -> memref<128xf32, #tpu.memory_space<vmem>>
    %dma_start3A_28 = arith.constant 256 : i32
    %dma_start3A_29 = tpu.memref_slice %arg10[%dma_start3A_28] : memref<512xi32, #tpu.memory_space<vmem>> -> memref<128xi32, #tpu.memory_space<vmem>>
    %dma_start3A_30 = arith.constant 0 : i32
    %dma_start3A_31 = tpu.memref_slice %arg6[%dma_start3A_30] : memref<1000000xf32, #tpu.memory_space<hbm>> -> memref<1000000xf32, #tpu.memory_space<hbm>>
    tpu.enqueue_indirect_dma source(%dma_start3A_31 : memref<1000000xf32, #tpu.memory_space<hbm>>) target(%dma_start3A_27 : memref<128xf32, #tpu.memory_space<vmem>>) offsets(%dma_start3A_29 : memref<128xi32, #tpu.memory_space<vmem>>) semaphore(%arg19 : memref<!tpu.dma_semaphore, #tpu.memory_space<semaphore_mem>>)
    %dma_start3A_32 = arith.constant 256 : i32
    %dma_start3A_33 = tpu.memref_slice %arg15[%dma_start3A_32] : memref<512xf32, #tpu.memory_space<vmem>> -> memref<128xf32, #tpu.memory_space<vmem>>
    %dma_start3A_34 = arith.constant 256 : i32
    %dma_start3A_35 = tpu.memref_slice %arg11[%dma_start3A_34] : memref<512xi32, #tpu.memory_space<vmem>> -> memref<128xi32, #tpu.memory_space<vmem>>
    %dma_start3A_36 = arith.constant 0 : i32
    %dma_start3A_37 = tpu.memref_slice %arg7[%dma_start3A_36] : memref<100000xf32, #tpu.memory_space<hbm>> -> memref<100000xf32, #tpu.memory_space<hbm>>
    tpu.enqueue_indirect_dma source(%dma_start3A_37 : memref<100000xf32, #tpu.memory_space<hbm>>) target(%dma_start3A_33 : memref<128xf32, #tpu.memory_space<vmem>>) offsets(%dma_start3A_35 : memref<128xi32, #tpu.memory_space<vmem>>) semaphore(%arg19 : memref<!tpu.dma_semaphore, #tpu.memory_space<semaphore_mem>>)
    %dma_start3A_38 = arith.constant 384 : i32
    %dma_start3A_39 = tpu.memref_slice %arg14[%dma_start3A_38] : memref<512xf32, #tpu.memory_space<vmem>> -> memref<128xf32, #tpu.memory_space<vmem>>
    %dma_start3A_40 = arith.constant 384 : i32
    %dma_start3A_41 = tpu.memref_slice %arg10[%dma_start3A_40] : memref<512xi32, #tpu.memory_space<vmem>> -> memref<128xi32, #tpu.memory_space<vmem>>
    %dma_start3A_42 = arith.constant 0 : i32
    %dma_start3A_43 = tpu.memref_slice %arg6[%dma_start3A_42] : memref<1000000xf32, #tpu.memory_space<hbm>> -> memref<1000000xf32, #tpu.memory_space<hbm>>
    tpu.enqueue_indirect_dma source(%dma_start3A_43 : memref<1000000xf32, #tpu.memory_space<hbm>>) target(%dma_start3A_39 : memref<128xf32, #tpu.memory_space<vmem>>) offsets(%dma_start3A_41 : memref<128xi32, #tpu.memory_space<vmem>>) semaphore(%arg19 : memref<!tpu.dma_semaphore, #tpu.memory_space<semaphore_mem>>)
    %dma_start3A_44 = arith.constant 384 : i32
    %dma_start3A_45 = tpu.memref_slice %arg15[%dma_start3A_44] : memref<512xf32, #tpu.memory_space<vmem>> -> memref<128xf32, #tpu.memory_space<vmem>>
    %dma_start3A_46 = arith.constant 384 : i32
    %dma_start3A_47 = tpu.memref_slice %arg11[%dma_start3A_46] : memref<512xi32, #tpu.memory_space<vmem>> -> memref<128xi32, #tpu.memory_space<vmem>>
    %dma_start3A_48 = arith.constant 0 : i32
    %dma_start3A_49 = tpu.memref_slice %arg7[%dma_start3A_48] : memref<100000xf32, #tpu.memory_space<hbm>> -> memref<100000xf32, #tpu.memory_space<hbm>>
    tpu.enqueue_indirect_dma source(%dma_start3A_49 : memref<100000xf32, #tpu.memory_space<hbm>>) target(%dma_start3A_45 : memref<128xf32, #tpu.memory_space<vmem>>) offsets(%dma_start3A_47 : memref<128xi32, #tpu.memory_space<vmem>>) semaphore(%arg19 : memref<!tpu.dma_semaphore, #tpu.memory_space<semaphore_mem>>)
    %scan3A = arith.constant 0 : i32
    %scan3A_50 = arith.constant 0 : i32
    %scan3A_51 = arith.constant 256 : i32
    %scan3A_52 = arith.addi %scan3A_50, %scan3A_51 : i32
    %scan3A_53 = arith.constant 1 : i32
    scf.for %scan3A_115 = %scan3A_50 to %scan3A_52 step %scan3A_53  : i32 {
      %shift_right_arithmetic3A = arith.constant 2 : i32
      %shift_right_arithmetic3A_116 = arith.shrsi %scan3A_115, %shift_right_arithmetic3A : i32
      %and3A = arith.constant 3 : i32
      %and3A_117 = arith.andi %scan3A_115, %and3A : i32
      %mul3A_118 = arith.constant 128 : i32
      %mul3A_119 = arith.muli %and3A_117, %mul3A_118 : i32
      %mul3A_120 = arith.constant 128 : i32
      %mul3A_121 = arith.muli %scan3A_115, %mul3A_120 : i32
      %dma_start3A_122 = tpu.memref_slice %arg12[%mul3A_121] : memref<32768xf32, #tpu.memory_space<vmem>> -> memref<128xf32, #tpu.memory_space<vmem>>
      %dma_start3A_123 = tpu.memref_slice %arg10[%mul3A_119] : memref<512xi32, #tpu.memory_space<vmem>> -> memref<128xi32, #tpu.memory_space<vmem>>
      %dma_start3A_124 = arith.constant 0 : i32
      %dma_start3A_125 = tpu.memref_slice %arg4[%shift_right_arithmetic3A_116, %dma_start3A_124] : memref<64x1000000xf32, #tpu.memory_space<hbm>> -> memref<1x1000000xf32, #tpu.memory_space<hbm>>
      %dma_start3A_126 = tpu.memref_squeeze %dma_start3A_125 : memref<1x1000000xf32, #tpu.memory_space<hbm>> -> memref<1000000xf32, #tpu.memory_space<hbm>>
      %dma_start3A_127 = arith.constant 0 : i32
      %dma_start3A_128 = tpu.memref_slice %dma_start3A_126[%dma_start3A_127] : memref<1000000xf32, #tpu.memory_space<hbm>> -> memref<1000000xf32, #tpu.memory_space<hbm>>
      tpu.enqueue_indirect_dma source(%dma_start3A_128 : memref<1000000xf32, #tpu.memory_space<hbm>>) target(%dma_start3A_122 : memref<128xf32, #tpu.memory_space<vmem>>) offsets(%dma_start3A_123 : memref<128xi32, #tpu.memory_space<vmem>>) semaphore(%arg18 : memref<!tpu.dma_semaphore, #tpu.memory_space<semaphore_mem>>)
      %dma_start3A_129 = tpu.memref_slice %arg13[%mul3A_121] : memref<32768xf32, #tpu.memory_space<vmem>> -> memref<128xf32, #tpu.memory_space<vmem>>
      %dma_start3A_130 = tpu.memref_slice %arg11[%mul3A_119] : memref<512xi32, #tpu.memory_space<vmem>> -> memref<128xi32, #tpu.memory_space<vmem>>
      %dma_start3A_131 = arith.constant 0 : i32
      %dma_start3A_132 = tpu.memref_slice %arg5[%shift_right_arithmetic3A_116, %dma_start3A_131] : memref<64x100000xf32, #tpu.memory_space<hbm>> -> memref<1x100000xf32, #tpu.memory_space<hbm>>
      %dma_start3A_133 = tpu.memref_squeeze %dma_start3A_132 : memref<1x100000xf32, #tpu.memory_space<hbm>> -> memref<100000xf32, #tpu.memory_space<hbm>>
      %dma_start3A_134 = arith.constant 0 : i32
      %dma_start3A_135 = tpu.memref_slice %dma_start3A_133[%dma_start3A_134] : memref<100000xf32, #tpu.memory_space<hbm>> -> memref<100000xf32, #tpu.memory_space<hbm>>
      tpu.enqueue_indirect_dma source(%dma_start3A_135 : memref<100000xf32, #tpu.memory_space<hbm>>) target(%dma_start3A_129 : memref<128xf32, #tpu.memory_space<vmem>>) offsets(%dma_start3A_130 : memref<128xi32, #tpu.memory_space<vmem>>) semaphore(%arg18 : memref<!tpu.dma_semaphore, #tpu.memory_space<semaphore_mem>>)
    }
    %scan3A_54 = arith.constant 256 : i32
    %scan3A_55 = arith.constant 0 : i32
    %scan3A_56 = arith.constant 0 : i32
    %scan3A_57 = arith.constant 256 : i32
    %scan3A_58 = arith.addi %scan3A_56, %scan3A_57 : i32
    %scan3A_59 = arith.constant 1 : i32
    scf.for %scan3A_115 = %scan3A_56 to %scan3A_58 step %scan3A_59  : i32 {
      %shift_right_arithmetic3A = arith.constant 2 : i32
      %shift_right_arithmetic3A_116 = arith.shrsi %scan3A_115, %shift_right_arithmetic3A : i32
      %and3A = arith.constant 3 : i32
      %and3A_117 = arith.andi %scan3A_115, %and3A : i32
      %mul3A_118 = arith.constant 128 : i32
      %mul3A_119 = arith.muli %and3A_117, %mul3A_118 : i32
      %mul3A_120 = arith.constant 128 : i32
      %mul3A_121 = arith.muli %scan3A_115, %mul3A_120 : i32
      %dma_wait3A_122 = tpu.memref_slice %arg12[%mul3A_121] : memref<32768xf32, #tpu.memory_space<vmem>> -> memref<128xf32, #tpu.memory_space<vmem>>
      %dma_wait3A_123 = tpu.memref_slice %arg10[%mul3A_119] : memref<512xi32, #tpu.memory_space<vmem>> -> memref<128xi32, #tpu.memory_space<vmem>>
      %dma_wait3A_124 = arith.constant 0 : i32
      %dma_wait3A_125 = tpu.memref_slice %arg4[%shift_right_arithmetic3A_116, %dma_wait3A_124] : memref<64x1000000xf32, #tpu.memory_space<hbm>> -> memref<1x1000000xf32, #tpu.memory_space<hbm>>
      %dma_wait3A_126 = tpu.memref_squeeze %dma_wait3A_125 : memref<1x1000000xf32, #tpu.memory_space<hbm>> -> memref<1000000xf32, #tpu.memory_space<hbm>>
      %dma_wait3A_127 = arith.constant 0 : i32
      %dma_wait3A_128 = tpu.memref_slice %dma_wait3A_126[%dma_wait3A_127] : memref<1000000xf32, #tpu.memory_space<hbm>> -> memref<1000000xf32, #tpu.memory_space<hbm>>
      tpu.wait_indirect_dma semaphore(%arg18 : memref<!tpu.dma_semaphore, #tpu.memory_space<semaphore_mem>>) src(%dma_wait3A_128 : memref<1000000xf32, #tpu.memory_space<hbm>>) dst(%dma_wait3A_122 : memref<128xf32, #tpu.memory_space<vmem>>)
      %dma_wait3A_129 = tpu.memref_slice %arg13[%mul3A_121] : memref<32768xf32, #tpu.memory_space<vmem>> -> memref<128xf32, #tpu.memory_space<vmem>>
      %dma_wait3A_130 = tpu.memref_slice %arg11[%mul3A_119] : memref<512xi32, #tpu.memory_space<vmem>> -> memref<128xi32, #tpu.memory_space<vmem>>
      %dma_wait3A_131 = arith.constant 0 : i32
      %dma_wait3A_132 = tpu.memref_slice %arg5[%shift_right_arithmetic3A_116, %dma_wait3A_131] : memref<64x100000xf32, #tpu.memory_space<hbm>> -> memref<1x100000xf32, #tpu.memory_space<hbm>>
      %dma_wait3A_133 = tpu.memref_squeeze %dma_wait3A_132 : memref<1x100000xf32, #tpu.memory_space<hbm>> -> memref<100000xf32, #tpu.memory_space<hbm>>
      %dma_wait3A_134 = arith.constant 0 : i32
      %dma_wait3A_135 = tpu.memref_slice %dma_wait3A_133[%dma_wait3A_134] : memref<100000xf32, #tpu.memory_space<hbm>> -> memref<100000xf32, #tpu.memory_space<hbm>>
      tpu.wait_indirect_dma semaphore(%arg18 : memref<!tpu.dma_semaphore, #tpu.memory_space<semaphore_mem>>) src(%dma_wait3A_135 : memref<100000xf32, #tpu.memory_space<hbm>>) dst(%dma_wait3A_129 : memref<128xf32, #tpu.memory_space<vmem>>)
    }
    %scan3A_60 = arith.constant 256 : i32
    %dma_wait3A = arith.constant 0 : i32
    %dma_wait3A_61 = tpu.memref_slice %arg14[%dma_wait3A] : memref<512xf32, #tpu.memory_space<vmem>> -> memref<128xf32, #tpu.memory_space<vmem>>
    %dma_wait3A_62 = arith.constant 0 : i32
    %dma_wait3A_63 = tpu.memref_slice %arg10[%dma_wait3A_62] : memref<512xi32, #tpu.memory_space<vmem>> -> memref<128xi32, #tpu.memory_space<vmem>>
    %dma_wait3A_64 = arith.constant 0 : i32
    %dma_wait3A_65 = tpu.memref_slice %arg6[%dma_wait3A_64] : memref<1000000xf32, #tpu.memory_space<hbm>> -> memref<1000000xf32, #tpu.memory_space<hbm>>
    tpu.wait_indirect_dma semaphore(%arg19 : memref<!tpu.dma_semaphore, #tpu.memory_space<semaphore_mem>>) src(%dma_wait3A_65 : memref<1000000xf32, #tpu.memory_space<hbm>>) dst(%dma_wait3A_61 : memref<128xf32, #tpu.memory_space<vmem>>)
    %dma_wait3A_66 = arith.constant 0 : i32
    %dma_wait3A_67 = tpu.memref_slice %arg15[%dma_wait3A_66] : memref<512xf32, #tpu.memory_space<vmem>> -> memref<128xf32, #tpu.memory_space<vmem>>
    %dma_wait3A_68 = arith.constant 0 : i32
    %dma_wait3A_69 = tpu.memref_slice %arg11[%dma_wait3A_68] : memref<512xi32, #tpu.memory_space<vmem>> -> memref<128xi32, #tpu.memory_space<vmem>>
    %dma_wait3A_70 = arith.constant 0 : i32
    %dma_wait3A_71 = tpu.memref_slice %arg7[%dma_wait3A_70] : memref<100000xf32, #tpu.memory_space<hbm>> -> memref<100000xf32, #tpu.memory_space<hbm>>
    tpu.wait_indirect_dma semaphore(%arg19 : memref<!tpu.dma_semaphore, #tpu.memory_space<semaphore_mem>>) src(%dma_wait3A_71 : memref<100000xf32, #tpu.memory_space<hbm>>) dst(%dma_wait3A_67 : memref<128xf32, #tpu.memory_space<vmem>>)
    %dma_wait3A_72 = arith.constant 128 : i32
    %dma_wait3A_73 = tpu.memref_slice %arg14[%dma_wait3A_72] : memref<512xf32, #tpu.memory_space<vmem>> -> memref<128xf32, #tpu.memory_space<vmem>>
    %dma_wait3A_74 = arith.constant 128 : i32
    %dma_wait3A_75 = tpu.memref_slice %arg10[%dma_wait3A_74] : memref<512xi32, #tpu.memory_space<vmem>> -> memref<128xi32, #tpu.memory_space<vmem>>
    %dma_wait3A_76 = arith.constant 0 : i32
    %dma_wait3A_77 = tpu.memref_slice %arg6[%dma_wait3A_76] : memref<1000000xf32, #tpu.memory_space<hbm>> -> memref<1000000xf32, #tpu.memory_space<hbm>>
    tpu.wait_indirect_dma semaphore(%arg19 : memref<!tpu.dma_semaphore, #tpu.memory_space<semaphore_mem>>) src(%dma_wait3A_77 : memref<1000000xf32, #tpu.memory_space<hbm>>) dst(%dma_wait3A_73 : memref<128xf32, #tpu.memory_space<vmem>>)
    %dma_wait3A_78 = arith.constant 128 : i32
    %dma_wait3A_79 = tpu.memref_slice %arg15[%dma_wait3A_78] : memref<512xf32, #tpu.memory_space<vmem>> -> memref<128xf32, #tpu.memory_space<vmem>>
    %dma_wait3A_80 = arith.constant 128 : i32
    %dma_wait3A_81 = tpu.memref_slice %arg11[%dma_wait3A_80] : memref<512xi32, #tpu.memory_space<vmem>> -> memref<128xi32, #tpu.memory_space<vmem>>
    %dma_wait3A_82 = arith.constant 0 : i32
    %dma_wait3A_83 = tpu.memref_slice %arg7[%dma_wait3A_82] : memref<100000xf32, #tpu.memory_space<hbm>> -> memref<100000xf32, #tpu.memory_space<hbm>>
    tpu.wait_indirect_dma semaphore(%arg19 : memref<!tpu.dma_semaphore, #tpu.memory_space<semaphore_mem>>) src(%dma_wait3A_83 : memref<100000xf32, #tpu.memory_space<hbm>>) dst(%dma_wait3A_79 : memref<128xf32, #tpu.memory_space<vmem>>)
    %dma_wait3A_84 = arith.constant 256 : i32
    %dma_wait3A_85 = tpu.memref_slice %arg14[%dma_wait3A_84] : memref<512xf32, #tpu.memory_space<vmem>> -> memref<128xf32, #tpu.memory_space<vmem>>
    %dma_wait3A_86 = arith.constant 256 : i32
    %dma_wait3A_87 = tpu.memref_slice %arg10[%dma_wait3A_86] : memref<512xi32, #tpu.memory_space<vmem>> -> memref<128xi32, #tpu.memory_space<vmem>>
    %dma_wait3A_88 = arith.constant 0 : i32
    %dma_wait3A_89 = tpu.memref_slice %arg6[%dma_wait3A_88] : memref<1000000xf32, #tpu.memory_space<hbm>> -> memref<1000000xf32, #tpu.memory_space<hbm>>
    tpu.wait_indirect_dma semaphore(%arg19 : memref<!tpu.dma_semaphore, #tpu.memory_space<semaphore_mem>>) src(%dma_wait3A_89 : memref<1000000xf32, #tpu.memory_space<hbm>>) dst(%dma_wait3A_85 : memref<128xf32, #tpu.memory_space<vmem>>)
    %dma_wait3A_90 = arith.constant 256 : i32
    %dma_wait3A_91 = tpu.memref_slice %arg15[%dma_wait3A_90] : memref<512xf32, #tpu.memory_space<vmem>> -> memref<128xf32, #tpu.memory_space<vmem>>
    %dma_wait3A_92 = arith.constant 256 : i32
    %dma_wait3A_93 = tpu.memref_slice %arg11[%dma_wait3A_92] : memref<512xi32, #tpu.memory_space<vmem>> -> memref<128xi32, #tpu.memory_space<vmem>>
    %dma_wait3A_94 = arith.constant 0 : i32
    %dma_wait3A_95 = tpu.memref_slice %arg7[%dma_wait3A_94] : memref<100000xf32, #tpu.memory_space<hbm>> -> memref<100000xf32, #tpu.memory_space<hbm>>
    tpu.wait_indirect_dma semaphore(%arg19 : memref<!tpu.dma_semaphore, #tpu.memory_space<semaphore_mem>>) src(%dma_wait3A_95 : memref<100000xf32, #tpu.memory_space<hbm>>) dst(%dma_wait3A_91 : memref<128xf32, #tpu.memory_space<vmem>>)
    %dma_wait3A_96 = arith.constant 384 : i32
    %dma_wait3A_97 = tpu.memref_slice %arg14[%dma_wait3A_96] : memref<512xf32, #tpu.memory_space<vmem>> -> memref<128xf32, #tpu.memory_space<vmem>>
    %dma_wait3A_98 = arith.constant 384 : i32
    %dma_wait3A_99 = tpu.memref_slice %arg10[%dma_wait3A_98] : memref<512xi32, #tpu.memory_space<vmem>> -> memref<128xi32, #tpu.memory_space<vmem>>
    %dma_wait3A_100 = arith.constant 0 : i32
    %dma_wait3A_101 = tpu.memref_slice %arg6[%dma_wait3A_100] : memref<1000000xf32, #tpu.memory_space<hbm>> -> memref<1000000xf32, #tpu.memory_space<hbm>>
    tpu.wait_indirect_dma semaphore(%arg19 : memref<!tpu.dma_semaphore, #tpu.memory_space<semaphore_mem>>) src(%dma_wait3A_101 : memref<1000000xf32, #tpu.memory_space<hbm>>) dst(%dma_wait3A_97 : memref<128xf32, #tpu.memory_space<vmem>>)
    %dma_wait3A_102 = arith.constant 384 : i32
    %dma_wait3A_103 = tpu.memref_slice %arg15[%dma_wait3A_102] : memref<512xf32, #tpu.memory_space<vmem>> -> memref<128xf32, #tpu.memory_space<vmem>>
    %dma_wait3A_104 = arith.constant 384 : i32
    %dma_wait3A_105 = tpu.memref_slice %arg11[%dma_wait3A_104] : memref<512xi32, #tpu.memory_space<vmem>> -> memref<128xi32, #tpu.memory_space<vmem>>
    %dma_wait3A_106 = arith.constant 0 : i32
    %dma_wait3A_107 = tpu.memref_slice %arg7[%dma_wait3A_106] : memref<100000xf32, #tpu.memory_space<hbm>> -> memref<100000xf32, #tpu.memory_space<hbm>>
    tpu.wait_indirect_dma semaphore(%arg19 : memref<!tpu.dma_semaphore, #tpu.memory_space<semaphore_mem>>) src(%dma_wait3A_107 : memref<100000xf32, #tpu.memory_space<hbm>>) dst(%dma_wait3A_103 : memref<128xf32, #tpu.memory_space<vmem>>)
    %get3A = arith.constant 0 : index
    %get3A_108 = tpu.vector_load %arg16[%get3A] {strides = array<i32>} : memref<16xf32, #tpu.memory_space<vmem>>, vector<16xf32>,
    %scan3A_109 = arith.constant 0 : i32
    %scan3A_110 = arith.constant 0 : i32
    %scan3A_111 = arith.constant 32 : i32
    %scan3A_112 = arith.addi %scan3A_110, %scan3A_111 : i32
    %scan3A_113 = arith.constant 1 : i32
    scf.for %scan3A_115 = %scan3A_110 to %scan3A_112 step %scan3A_113  : i32 {
      %mul3A_116 = arith.constant 16 : i32
      %mul3A_117 = arith.muli %scan3A_115, %mul3A_116 : i32
      %get3A_118 = arith.index_cast %mul3A_117 : i32 to index
      %get3A_119 = tpu.vector_load %arg14[%get3A_118] {strides = array<i32>} : memref<512xf32, #tpu.memory_space<vmem>>, vector<16xf32>,
      %get3A_120 = arith.index_cast %mul3A_117 : i32 to index
      %get3A_121 = tpu.vector_load %arg15[%get3A_120] {strides = array<i32>} : memref<512xf32, #tpu.memory_space<vmem>>, vector<16xf32>,
      %add3A_122 = arith.addf %get3A_119, %get3A_121 : vector<16xf32>
      %add3A_123 = arith.addf %add3A_122, %get3A_108 : vector<16xf32>
      %add3A_124 = arith.constant 0 : i32
      %add3A_125 = arith.addi %add3A_124, %mul3A_117 : i32
      %get3A_126 = arith.index_cast %add3A_125 : i32 to index
      %get3A_127 = tpu.vector_load %arg12[%get3A_126] {strides = array<i32>} : memref<32768xf32, #tpu.memory_space<vmem>>, vector<16xf32>,
      %add3A_128 = arith.constant 0 : i32
      %add3A_129 = arith.addi %add3A_128, %mul3A_117 : i32
      %get3A_130 = arith.index_cast %add3A_129 : i32 to index
      %get3A_131 = tpu.vector_load %arg13[%get3A_130] {strides = array<i32>} : memref<32768xf32, #tpu.memory_space<vmem>>, vector<16xf32>,
      %mul3A_132 = arith.mulf %get3A_127, %get3A_131 : vector<16xf32>
      %add3A_133 = arith.addf %add3A_123, %mul3A_132 : vector<16xf32>
      %add3A_134 = arith.constant 512 : i32
      %add3A_135 = arith.addi %add3A_134, %mul3A_117 : i32
      %get3A_136 = arith.index_cast %add3A_135 : i32 to index
      %get3A_137 = tpu.vector_load %arg12[%get3A_136] {strides = array<i32>} : memref<32768xf32, #tpu.memory_space<vmem>>, vector<16xf32>,
      %add3A_138 = arith.constant 512 : i32
      %add3A_139 = arith.addi %add3A_138, %mul3A_117 : i32
      %get3A_140 = arith.index_cast %add3A_139 : i32 to index
      %get3A_141 = tpu.vector_load %arg13[%get3A_140] {strides = array<i32>} : memref<32768xf32, #tpu.memory_space<vmem>>, vector<16xf32>,
      %mul3A_142 = arith.mulf %get3A_137, %get3A_141 : vector<16xf32>
      %add3A_143 = arith.addf %add3A_133, %mul3A_142 : vector<16xf32>
      %add3A_144 = arith.constant 1024 : i32
      %add3A_145 = arith.addi %add3A_144, %mul3A_117 : i32
      %get3A_146 = arith.index_cast %add3A_145 : i32 to index
      %get3A_147 = tpu.vector_load %arg12[%get3A_146] {strides = array<i32>} : memref<32768xf32, #tpu.memory_space<vmem>>, vector<16xf32>,
      %add3A_148 = arith.constant 1024 : i32
      %add3A_149 = arith.addi %add3A_148, %mul3A_117 : i32
      %get3A_150 = arith.index_cast %add3A_149 : i32 to index
      %get3A_151 = tpu.vector_load %arg13[%get3A_150] {strides = array<i32>} : memref<32768xf32, #tpu.memory_space<vmem>>, vector<16xf32>,
      %mul3A_152 = arith.mulf %get3A_147, %get3A_151 : vector<16xf32>
      %add3A_153 = arith.addf %add3A_143, %mul3A_152 : vector<16xf32>
      %add3A_154 = arith.constant 1536 : i32
      %add3A_155 = arith.addi %add3A_154, %mul3A_117 : i32
      %get3A_156 = arith.index_cast %add3A_155 : i32 to index
      %get3A_157 = tpu.vector_load %arg12[%get3A_156] {strides = array<i32>} : memref<32768xf32, #tpu.memory_space<vmem>>, vector<16xf32>,
      %add3A_158 = arith.constant 1536 : i32
      %add3A_159 = arith.addi %add3A_158, %mul3A_117 : i32
      %get3A_160 = arith.index_cast %add3A_159 : i32 to index
      %get3A_161 = tpu.vector_load %arg13[%get3A_160] {strides = array<i32>} : memref<32768xf32, #tpu.memory_space<vmem>>, vector<16xf32>,
      %mul3A_162 = arith.mulf %get3A_157, %get3A_161 : vector<16xf32>
      %add3A_163 = arith.addf %add3A_153, %mul3A_162 : vector<16xf32>
      %add3A_164 = arith.constant 2048 : i32
      %add3A_165 = arith.addi %add3A_164, %mul3A_117 : i32
      %get3A_166 = arith.index_cast %add3A_165 : i32 to index
      %get3A_167 = tpu.vector_load %arg12[%get3A_166] {strides = array<i32>} : memref<32768xf32, #tpu.memory_space<vmem>>, vector<16xf32>,
      %add3A_168 = arith.constant 2048 : i32
      %add3A_169 = arith.addi %add3A_168, %mul3A_117 : i32
      %get3A_170 = arith.index_cast %add3A_169 : i32 to index
      %get3A_171 = tpu.vector_load %arg13[%get3A_170] {strides = array<i32>} : memref<32768xf32, #tpu.memory_space<vmem>>, vector<16xf32>,
      %mul3A_172 = arith.mulf %get3A_167, %get3A_171 : vector<16xf32>
      %add3A_173 = arith.addf %add3A_163, %mul3A_172 : vector<16xf32>
      %add3A_174 = arith.constant 2560 : i32
      %add3A_175 = arith.addi %add3A_174, %mul3A_117 : i32
      %get3A_176 = arith.index_cast %add3A_175 : i32 to index
      %get3A_177 = tpu.vector_load %arg12[%get3A_176] {strides = array<i32>} : memref<32768xf32, #tpu.memory_space<vmem>>, vector<16xf32>,
      %add3A_178 = arith.constant 2560 : i32
      %add3A_179 = arith.addi %add3A_178, %mul3A_117 : i32
      %get3A_180 = arith.index_cast %add3A_179 : i32 to index
      %get3A_181 = tpu.vector_load %arg13[%get3A_180] {strides = array<i32>} : memref<32768xf32, #tpu.memory_space<vmem>>, vector<16xf32>,
      %mul3A_182 = arith.mulf %get3A_177, %get3A_181 : vector<16xf32>
      %add3A_183 = arith.addf %add3A_173, %mul3A_182 : vector<16xf32>
      %add3A_184 = arith.constant 3072 : i32
      %add3A_185 = arith.addi %add3A_184, %mul3A_117 : i32
      %get3A_186 = arith.index_cast %add3A_185 : i32 to index
      %get3A_187 = tpu.vector_load %arg12[%get3A_186] {strides = array<i32>} : memref<32768xf32, #tpu.memory_space<vmem>>, vector<16xf32>,
      %add3A_188 = arith.constant 3072 : i32
      %add3A_189 = arith.addi %add3A_188, %mul3A_117 : i32
      %get3A_190 = arith.index_cast %add3A_189 : i32 to index
      %get3A_191 = tpu.vector_load %arg13[%get3A_190] {strides = array<i32>} : memref<32768xf32, #tpu.memory_space<vmem>>, vector<16xf32>,
      %mul3A_192 = arith.mulf %get3A_187, %get3A_191 : vector<16xf32>
      %add3A_193 = arith.addf %add3A_183, %mul3A_192 : vector<16xf32>
      %add3A_194 = arith.constant 3584 : i32
      %add3A_195 = arith.addi %add3A_194, %mul3A_117 : i32
      %get3A_196 = arith.index_cast %add3A_195 : i32 to index
      %get3A_197 = tpu.vector_load %arg12[%get3A_196] {strides = array<i32>} : memref<32768xf32, #tpu.memory_space<vmem>>, vector<16xf32>,
      %add3A_198 = arith.constant 3584 : i32
      %add3A_199 = arith.addi %add3A_198, %mul3A_117 : i32
      %get3A_200 = arith.index_cast %add3A_199 : i32 to index
      %get3A_201 = tpu.vector_load %arg13[%get3A_200] {strides = array<i32>} : memref<32768xf32, #tpu.memory_space<vmem>>, vector<16xf32>,
      %mul3A_202 = arith.mulf %get3A_197, %get3A_201 : vector<16xf32>
      %add3A_203 = arith.addf %add3A_193, %mul3A_202 : vector<16xf32>
      %add3A_204 = arith.constant 4096 : i32
      %add3A_205 = arith.addi %add3A_204, %mul3A_117 : i32
      %get3A_206 = arith.index_cast %add3A_205 : i32 to index
      %get3A_207 = tpu.vector_load %arg12[%get3A_206] {strides = array<i32>} : memref<32768xf32, #tpu.memory_space<vmem>>, vector<16xf32>,
      %add3A_208 = arith.constant 4096 : i32
      %add3A_209 = arith.addi %add3A_208, %mul3A_117 : i32
      %get3A_210 = arith.index_cast %add3A_209 : i32 to index
      %get3A_211 = tpu.vector_load %arg13[%get3A_210] {strides = array<i32>} : memref<32768xf32, #tpu.memory_space<vmem>>, vector<16xf32>,
      %mul3A_212 = arith.mulf %get3A_207, %get3A_211 : vector<16xf32>
      %add3A_213 = arith.addf %add3A_203, %mul3A_212 : vector<16xf32>
      %add3A_214 = arith.constant 4608 : i32
      %add3A_215 = arith.addi %add3A_214, %mul3A_117 : i32
      %get3A_216 = arith.index_cast %add3A_215 : i32 to index
      %get3A_217 = tpu.vector_load %arg12[%get3A_216] {strides = array<i32>} : memref<32768xf32, #tpu.memory_space<vmem>>, vector<16xf32>,
      %add3A_218 = arith.constant 4608 : i32
      %add3A_219 = arith.addi %add3A_218, %mul3A_117 : i32
      %get3A_220 = arith.index_cast %add3A_219 : i32 to index
      %get3A_221 = tpu.vector_load %arg13[%get3A_220] {strides = array<i32>} : memref<32768xf32, #tpu.memory_space<vmem>>, vector<16xf32>,
      %mul3A_222 = arith.mulf %get3A_217, %get3A_221 : vector<16xf32>
      %add3A_223 = arith.addf %add3A_213, %mul3A_222 : vector<16xf32>
      %add3A_224 = arith.constant 5120 : i32
      %add3A_225 = arith.addi %add3A_224, %mul3A_117 : i32
      %get3A_226 = arith.index_cast %add3A_225 : i32 to index
      %get3A_227 = tpu.vector_load %arg12[%get3A_226] {strides = array<i32>} : memref<32768xf32, #tpu.memory_space<vmem>>, vector<16xf32>,
      %add3A_228 = arith.constant 5120 : i32
      %add3A_229 = arith.addi %add3A_228, %mul3A_117 : i32
      %get3A_230 = arith.index_cast %add3A_229 : i32 to index
      %get3A_231 = tpu.vector_load %arg13[%get3A_230] {strides = array<i32>} : memref<32768xf32, #tpu.memory_space<vmem>>, vector<16xf32>,
      %mul3A_232 = arith.mulf %get3A_227, %get3A_231 : vector<16xf32>
      %add3A_233 = arith.addf %add3A_223, %mul3A_232 : vector<16xf32>
      %add3A_234 = arith.constant 5632 : i32
      %add3A_235 = arith.addi %add3A_234, %mul3A_117 : i32
      %get3A_236 = arith.index_cast %add3A_235 : i32 to index
      %get3A_237 = tpu.vector_load %arg12[%get3A_236] {strides = array<i32>} : memref<32768xf32, #tpu.memory_space<vmem>>, vector<16xf32>,
      %add3A_238 = arith.constant 5632 : i32
      %add3A_239 = arith.addi %add3A_238, %mul3A_117 : i32
      %get3A_240 = arith.index_cast %add3A_239 : i32 to index
      %get3A_241 = tpu.vector_load %arg13[%get3A_240] {strides = array<i32>} : memref<32768xf32, #tpu.memory_space<vmem>>, vector<16xf32>,
      %mul3A_242 = arith.mulf %get3A_237, %get3A_241 : vector<16xf32>
      %add3A_243 = arith.addf %add3A_233, %mul3A_242 : vector<16xf32>
      %add3A_244 = arith.constant 6144 : i32
      %add3A_245 = arith.addi %add3A_244, %mul3A_117 : i32
      %get3A_246 = arith.index_cast %add3A_245 : i32 to index
      %get3A_247 = tpu.vector_load %arg12[%get3A_246] {strides = array<i32>} : memref<32768xf32, #tpu.memory_space<vmem>>, vector<16xf32>,
      %add3A_248 = arith.constant 6144 : i32
      %add3A_249 = arith.addi %add3A_248, %mul3A_117 : i32
      %get3A_250 = arith.index_cast %add3A_249 : i32 to index
      %get3A_251 = tpu.vector_load %arg13[%get3A_250] {strides = array<i32>} : memref<32768xf32, #tpu.memory_space<vmem>>, vector<16xf32>,
      %mul3A_252 = arith.mulf %get3A_247, %get3A_251 : vector<16xf32>
      %add3A_253 = arith.addf %add3A_243, %mul3A_252 : vector<16xf32>
      %add3A_254 = arith.constant 6656 : i32
      %add3A_255 = arith.addi %add3A_254, %mul3A_117 : i32
      %get3A_256 = arith.index_cast %add3A_255 : i32 to index
      %get3A_257 = tpu.vector_load %arg12[%get3A_256] {strides = array<i32>} : memref<32768xf32, #tpu.memory_space<vmem>>, vector<16xf32>,
      %add3A_258 = arith.constant 6656 : i32
      %add3A_259 = arith.addi %add3A_258, %mul3A_117 : i32
      %get3A_260 = arith.index_cast %add3A_259 : i32 to index
      %get3A_261 = tpu.vector_load %arg13[%get3A_260] {strides = array<i32>} : memref<32768xf32, #tpu.memory_space<vmem>>, vector<16xf32>,
      %mul3A_262 = arith.mulf %get3A_257, %get3A_261 : vector<16xf32>
      %add3A_263 = arith.addf %add3A_253, %mul3A_262 : vector<16xf32>
      %add3A_264 = arith.constant 7168 : i32
      %add3A_265 = arith.addi %add3A_264, %mul3A_117 : i32
      %get3A_266 = arith.index_cast %add3A_265 : i32 to index
      %get3A_267 = tpu.vector_load %arg12[%get3A_266] {strides = array<i32>} : memref<32768xf32, #tpu.memory_space<vmem>>, vector<16xf32>,
      %add3A_268 = arith.constant 7168 : i32
      %add3A_269 = arith.addi %add3A_268, %mul3A_117 : i32
      %get3A_270 = arith.index_cast %add3A_269 : i32 to index
      %get3A_271 = tpu.vector_load %arg13[%get3A_270] {strides = array<i32>} : memref<32768xf32, #tpu.memory_space<vmem>>, vector<16xf32>,
      %mul3A_272 = arith.mulf %get3A_267, %get3A_271 : vector<16xf32>
      %add3A_273 = arith.addf %add3A_263, %mul3A_272 : vector<16xf32>
      %add3A_274 = arith.constant 7680 : i32
      %add3A_275 = arith.addi %add3A_274, %mul3A_117 : i32
      %get3A_276 = arith.index_cast %add3A_275 : i32 to index
      %get3A_277 = tpu.vector_load %arg12[%get3A_276] {strides = array<i32>} : memref<32768xf32, #tpu.memory_space<vmem>>, vector<16xf32>,
      %add3A_278 = arith.constant 7680 : i32
      %add3A_279 = arith.addi %add3A_278, %mul3A_117 : i32
      %get3A_280 = arith.index_cast %add3A_279 : i32 to index
      %get3A_281 = tpu.vector_load %arg13[%get3A_280] {strides = array<i32>} : memref<32768xf32, #tpu.memory_space<vmem>>, vector<16xf32>,
      %mul3A_282 = arith.mulf %get3A_277, %get3A_281 : vector<16xf32>
      %add3A_283 = arith.addf %add3A_273, %mul3A_282 : vector<16xf32>
      %add3A_284 = arith.constant 8192 : i32
      %add3A_285 = arith.addi %add3A_284, %mul3A_117 : i32
      %get3A_286 = arith.index_cast %add3A_285 : i32 to index
      %get3A_287 = tpu.vector_load %arg12[%get3A_286] {strides = array<i32>} : memref<32768xf32, #tpu.memory_space<vmem>>, vector<16xf32>,
      %add3A_288 = arith.constant 8192 : i32
      %add3A_289 = arith.addi %add3A_288, %mul3A_117 : i32
      %get3A_290 = arith.index_cast %add3A_289 : i32 to index
      %get3A_291 = tpu.vector_load %arg13[%get3A_290] {strides = array<i32>} : memref<32768xf32, #tpu.memory_space<vmem>>, vector<16xf32>,
      %mul3A_292 = arith.mulf %get3A_287, %get3A_291 : vector<16xf32>
      %add3A_293 = arith.addf %add3A_283, %mul3A_292 : vector<16xf32>
      %add3A_294 = arith.constant 8704 : i32
      %add3A_295 = arith.addi %add3A_294, %mul3A_117 : i32
      %get3A_296 = arith.index_cast %add3A_295 : i32 to index
      %get3A_297 = tpu.vector_load %arg12[%get3A_296] {strides = array<i32>} : memref<32768xf32, #tpu.memory_space<vmem>>, vector<16xf32>,
      %add3A_298 = arith.constant 8704 : i32
      %add3A_299 = arith.addi %add3A_298, %mul3A_117 : i32
      %get3A_300 = arith.index_cast %add3A_299 : i32 to index
      %get3A_301 = tpu.vector_load %arg13[%get3A_300] {strides = array<i32>} : memref<32768xf32, #tpu.memory_space<vmem>>, vector<16xf32>,
      %mul3A_302 = arith.mulf %get3A_297, %get3A_301 : vector<16xf32>
      %add3A_303 = arith.addf %add3A_293, %mul3A_302 : vector<16xf32>
      %add3A_304 = arith.constant 9216 : i32
      %add3A_305 = arith.addi %add3A_304, %mul3A_117 : i32
      %get3A_306 = arith.index_cast %add3A_305 : i32 to index
      %get3A_307 = tpu.vector_load %arg12[%get3A_306] {strides = array<i32>} : memref<32768xf32, #tpu.memory_space<vmem>>, vector<16xf32>,
      %add3A_308 = arith.constant 9216 : i32
      %add3A_309 = arith.addi %add3A_308, %mul3A_117 : i32
      %get3A_310 = arith.index_cast %add3A_309 : i32 to index
      %get3A_311 = tpu.vector_load %arg13[%get3A_310] {strides = array<i32>} : memref<32768xf32, #tpu.memory_space<vmem>>, vector<16xf32>,
      %mul3A_312 = arith.mulf %get3A_307, %get3A_311 : vector<16xf32>
      %add3A_313 = arith.addf %add3A_303, %mul3A_312 : vector<16xf32>
      %add3A_314 = arith.constant 9728 : i32
      %add3A_315 = arith.addi %add3A_314, %mul3A_117 : i32
      %get3A_316 = arith.index_cast %add3A_315 : i32 to index
      %get3A_317 = tpu.vector_load %arg12[%get3A_316] {strides = array<i32>} : memref<32768xf32, #tpu.memory_space<vmem>>, vector<16xf32>,
      %add3A_318 = arith.constant 9728 : i32
      %add3A_319 = arith.addi %add3A_318, %mul3A_117 : i32
      %get3A_320 = arith.index_cast %add3A_319 : i32 to index
      %get3A_321 = tpu.vector_load %arg13[%get3A_320] {strides = array<i32>} : memref<32768xf32, #tpu.memory_space<vmem>>, vector<16xf32>,
      %mul3A_322 = arith.mulf %get3A_317, %get3A_321 : vector<16xf32>
      %add3A_323 = arith.addf %add3A_313, %mul3A_322 : vector<16xf32>
      %add3A_324 = arith.constant 10240 : i32
      %add3A_325 = arith.addi %add3A_324, %mul3A_117 : i32
      %get3A_326 = arith.index_cast %add3A_325 : i32 to index
      %get3A_327 = tpu.vector_load %arg12[%get3A_326] {strides = array<i32>} : memref<32768xf32, #tpu.memory_space<vmem>>, vector<16xf32>,
      %add3A_328 = arith.constant 10240 : i32
      %add3A_329 = arith.addi %add3A_328, %mul3A_117 : i32
      %get3A_330 = arith.index_cast %add3A_329 : i32 to index
      %get3A_331 = tpu.vector_load %arg13[%get3A_330] {strides = array<i32>} : memref<32768xf32, #tpu.memory_space<vmem>>, vector<16xf32>,
      %mul3A_332 = arith.mulf %get3A_327, %get3A_331 : vector<16xf32>
      %add3A_333 = arith.addf %add3A_323, %mul3A_332 : vector<16xf32>
      %add3A_334 = arith.constant 10752 : i32
      %add3A_335 = arith.addi %add3A_334, %mul3A_117 : i32
      %get3A_336 = arith.index_cast %add3A_335 : i32 to index
      %get3A_337 = tpu.vector_load %arg12[%get3A_336] {strides = array<i32>} : memref<32768xf32, #tpu.memory_space<vmem>>, vector<16xf32>,
      %add3A_338 = arith.constant 10752 : i32
      %add3A_339 = arith.addi %add3A_338, %mul3A_117 : i32
      %get3A_340 = arith.index_cast %add3A_339 : i32 to index
      %get3A_341 = tpu.vector_load %arg13[%get3A_340] {strides = array<i32>} : memref<32768xf32, #tpu.memory_space<vmem>>, vector<16xf32>,
      %mul3A_342 = arith.mulf %get3A_337, %get3A_341 : vector<16xf32>
      %add3A_343 = arith.addf %add3A_333, %mul3A_342 : vector<16xf32>
      %add3A_344 = arith.constant 11264 : i32
      %add3A_345 = arith.addi %add3A_344, %mul3A_117 : i32
      %get3A_346 = arith.index_cast %add3A_345 : i32 to index
      %get3A_347 = tpu.vector_load %arg12[%get3A_346] {strides = array<i32>} : memref<32768xf32, #tpu.memory_space<vmem>>, vector<16xf32>,
      %add3A_348 = arith.constant 11264 : i32
      %add3A_349 = arith.addi %add3A_348, %mul3A_117 : i32
      %get3A_350 = arith.index_cast %add3A_349 : i32 to index
      %get3A_351 = tpu.vector_load %arg13[%get3A_350] {strides = array<i32>} : memref<32768xf32, #tpu.memory_space<vmem>>, vector<16xf32>,
      %mul3A_352 = arith.mulf %get3A_347, %get3A_351 : vector<16xf32>
      %add3A_353 = arith.addf %add3A_343, %mul3A_352 : vector<16xf32>
      %add3A_354 = arith.constant 11776 : i32
      %add3A_355 = arith.addi %add3A_354, %mul3A_117 : i32
      %get3A_356 = arith.index_cast %add3A_355 : i32 to index
      %get3A_357 = tpu.vector_load %arg12[%get3A_356] {strides = array<i32>} : memref<32768xf32, #tpu.memory_space<vmem>>, vector<16xf32>,
      %add3A_358 = arith.constant 11776 : i32
      %add3A_359 = arith.addi %add3A_358, %mul3A_117 : i32
      %get3A_360 = arith.index_cast %add3A_359 : i32 to index
      %get3A_361 = tpu.vector_load %arg13[%get3A_360] {strides = array<i32>} : memref<32768xf32, #tpu.memory_space<vmem>>, vector<16xf32>,
      %mul3A_362 = arith.mulf %get3A_357, %get3A_361 : vector<16xf32>
      %add3A_363 = arith.addf %add3A_353, %mul3A_362 : vector<16xf32>
      %add3A_364 = arith.constant 12288 : i32
      %add3A_365 = arith.addi %add3A_364, %mul3A_117 : i32
      %get3A_366 = arith.index_cast %add3A_365 : i32 to index
      %get3A_367 = tpu.vector_load %arg12[%get3A_366] {strides = array<i32>} : memref<32768xf32, #tpu.memory_space<vmem>>, vector<16xf32>,
      %add3A_368 = arith.constant 12288 : i32
      %add3A_369 = arith.addi %add3A_368, %mul3A_117 : i32
      %get3A_370 = arith.index_cast %add3A_369 : i32 to index
      %get3A_371 = tpu.vector_load %arg13[%get3A_370] {strides = array<i32>} : memref<32768xf32, #tpu.memory_space<vmem>>, vector<16xf32>,
      %mul3A_372 = arith.mulf %get3A_367, %get3A_371 : vector<16xf32>
      %add3A_373 = arith.addf %add3A_363, %mul3A_372 : vector<16xf32>
      %add3A_374 = arith.constant 12800 : i32
      %add3A_375 = arith.addi %add3A_374, %mul3A_117 : i32
      %get3A_376 = arith.index_cast %add3A_375 : i32 to index
      %get3A_377 = tpu.vector_load %arg12[%get3A_376] {strides = array<i32>} : memref<32768xf32, #tpu.memory_space<vmem>>, vector<16xf32>,
      %add3A_378 = arith.constant 12800 : i32
      %add3A_379 = arith.addi %add3A_378, %mul3A_117 : i32
      %get3A_380 = arith.index_cast %add3A_379 : i32 to index
      %get3A_381 = tpu.vector_load %arg13[%get3A_380] {strides = array<i32>} : memref<32768xf32, #tpu.memory_space<vmem>>, vector<16xf32>,
      %mul3A_382 = arith.mulf %get3A_377, %get3A_381 : vector<16xf32>
      %add3A_383 = arith.addf %add3A_373, %mul3A_382 : vector<16xf32>
      %add3A_384 = arith.constant 13312 : i32
      %add3A_385 = arith.addi %add3A_384, %mul3A_117 : i32
      %get3A_386 = arith.index_cast %add3A_385 : i32 to index
      %get3A_387 = tpu.vector_load %arg12[%get3A_386] {strides = array<i32>} : memref<32768xf32, #tpu.memory_space<vmem>>, vector<16xf32>,
      %add3A_388 = arith.constant 13312 : i32
      %add3A_389 = arith.addi %add3A_388, %mul3A_117 : i32
      %get3A_390 = arith.index_cast %add3A_389 : i32 to index
      %get3A_391 = tpu.vector_load %arg13[%get3A_390] {strides = array<i32>} : memref<32768xf32, #tpu.memory_space<vmem>>, vector<16xf32>,
      %mul3A_392 = arith.mulf %get3A_387, %get3A_391 : vector<16xf32>
      %add3A_393 = arith.addf %add3A_383, %mul3A_392 : vector<16xf32>
      %add3A_394 = arith.constant 13824 : i32
      %add3A_395 = arith.addi %add3A_394, %mul3A_117 : i32
      %get3A_396 = arith.index_cast %add3A_395 : i32 to index
      %get3A_397 = tpu.vector_load %arg12[%get3A_396] {strides = array<i32>} : memref<32768xf32, #tpu.memory_space<vmem>>, vector<16xf32>,
      %add3A_398 = arith.constant 13824 : i32
      %add3A_399 = arith.addi %add3A_398, %mul3A_117 : i32
      %get3A_400 = arith.index_cast %add3A_399 : i32 to index
      %get3A_401 = tpu.vector_load %arg13[%get3A_400] {strides = array<i32>} : memref<32768xf32, #tpu.memory_space<vmem>>, vector<16xf32>,
      %mul3A_402 = arith.mulf %get3A_397, %get3A_401 : vector<16xf32>
      %add3A_403 = arith.addf %add3A_393, %mul3A_402 : vector<16xf32>
      %add3A_404 = arith.constant 14336 : i32
      %add3A_405 = arith.addi %add3A_404, %mul3A_117 : i32
      %get3A_406 = arith.index_cast %add3A_405 : i32 to index
      %get3A_407 = tpu.vector_load %arg12[%get3A_406] {strides = array<i32>} : memref<32768xf32, #tpu.memory_space<vmem>>, vector<16xf32>,
      %add3A_408 = arith.constant 14336 : i32
      %add3A_409 = arith.addi %add3A_408, %mul3A_117 : i32
      %get3A_410 = arith.index_cast %add3A_409 : i32 to index
      %get3A_411 = tpu.vector_load %arg13[%get3A_410] {strides = array<i32>} : memref<32768xf32, #tpu.memory_space<vmem>>, vector<16xf32>,
      %mul3A_412 = arith.mulf %get3A_407, %get3A_411 : vector<16xf32>
      %add3A_413 = arith.addf %add3A_403, %mul3A_412 : vector<16xf32>
      %add3A_414 = arith.constant 14848 : i32
      %add3A_415 = arith.addi %add3A_414, %mul3A_117 : i32
      %get3A_416 = arith.index_cast %add3A_415 : i32 to index
      %get3A_417 = tpu.vector_load %arg12[%get3A_416] {strides = array<i32>} : memref<32768xf32, #tpu.memory_space<vmem>>, vector<16xf32>,
      %add3A_418 = arith.constant 14848 : i32
      %add3A_419 = arith.addi %add3A_418, %mul3A_117 : i32
      %get3A_420 = arith.index_cast %add3A_419 : i32 to index
      %get3A_421 = tpu.vector_load %arg13[%get3A_420] {strides = array<i32>} : memref<32768xf32, #tpu.memory_space<vmem>>, vector<16xf32>,
      %mul3A_422 = arith.mulf %get3A_417, %get3A_421 : vector<16xf32>
      %add3A_423 = arith.addf %add3A_413, %mul3A_422 : vector<16xf32>
      %add3A_424 = arith.constant 15360 : i32
      %add3A_425 = arith.addi %add3A_424, %mul3A_117 : i32
      %get3A_426 = arith.index_cast %add3A_425 : i32 to index
      %get3A_427 = tpu.vector_load %arg12[%get3A_426] {strides = array<i32>} : memref<32768xf32, #tpu.memory_space<vmem>>, vector<16xf32>,
      %add3A_428 = arith.constant 15360 : i32
      %add3A_429 = arith.addi %add3A_428, %mul3A_117 : i32
      %get3A_430 = arith.index_cast %add3A_429 : i32 to index
      %get3A_431 = tpu.vector_load %arg13[%get3A_430] {strides = array<i32>} : memref<32768xf32, #tpu.memory_space<vmem>>, vector<16xf32>,
      %mul3A_432 = arith.mulf %get3A_427, %get3A_431 : vector<16xf32>
      %add3A_433 = arith.addf %add3A_423, %mul3A_432 : vector<16xf32>
      %add3A_434 = arith.constant 15872 : i32
      %add3A_435 = arith.addi %add3A_434, %mul3A_117 : i32
      %get3A_436 = arith.index_cast %add3A_435 : i32 to index
      %get3A_437 = tpu.vector_load %arg12[%get3A_436] {strides = array<i32>} : memref<32768xf32, #tpu.memory_space<vmem>>, vector<16xf32>,
      %add3A_438 = arith.constant 15872 : i32
      %add3A_439 = arith.addi %add3A_438, %mul3A_117 : i32
      %get3A_440 = arith.index_cast %add3A_439 : i32 to index
      %get3A_441 = tpu.vector_load %arg13[%get3A_440] {strides = array<i32>} : memref<32768xf32, #tpu.memory_space<vmem>>, vector<16xf32>,
      %mul3A_442 = arith.mulf %get3A_437, %get3A_441 : vector<16xf32>
      %add3A_443 = arith.addf %add3A_433, %mul3A_442 : vector<16xf32>
      %add3A_444 = arith.constant 16384 : i32
      %add3A_445 = arith.addi %add3A_444, %mul3A_117 : i32
      %get3A_446 = arith.index_cast %add3A_445 : i32 to index
      %get3A_447 = tpu.vector_load %arg12[%get3A_446] {strides = array<i32>} : memref<32768xf32, #tpu.memory_space<vmem>>, vector<16xf32>,
      %add3A_448 = arith.constant 16384 : i32
      %add3A_449 = arith.addi %add3A_448, %mul3A_117 : i32
      %get3A_450 = arith.index_cast %add3A_449 : i32 to index
      %get3A_451 = tpu.vector_load %arg13[%get3A_450] {strides = array<i32>} : memref<32768xf32, #tpu.memory_space<vmem>>, vector<16xf32>,
      %mul3A_452 = arith.mulf %get3A_447, %get3A_451 : vector<16xf32>
      %add3A_453 = arith.addf %add3A_443, %mul3A_452 : vector<16xf32>
      %add3A_454 = arith.constant 16896 : i32
      %add3A_455 = arith.addi %add3A_454, %mul3A_117 : i32
      %get3A_456 = arith.index_cast %add3A_455 : i32 to index
      %get3A_457 = tpu.vector_load %arg12[%get3A_456] {strides = array<i32>} : memref<32768xf32, #tpu.memory_space<vmem>>, vector<16xf32>,
      %add3A_458 = arith.constant 16896 : i32
      %add3A_459 = arith.addi %add3A_458, %mul3A_117 : i32
      %get3A_460 = arith.index_cast %add3A_459 : i32 to index
      %get3A_461 = tpu.vector_load %arg13[%get3A_460] {strides = array<i32>} : memref<32768xf32, #tpu.memory_space<vmem>>, vector<16xf32>,
      %mul3A_462 = arith.mulf %get3A_457, %get3A_461 : vector<16xf32>
      %add3A_463 = arith.addf %add3A_453, %mul3A_462 : vector<16xf32>
      %add3A_464 = arith.constant 17408 : i32
      %add3A_465 = arith.addi %add3A_464, %mul3A_117 : i32
      %get3A_466 = arith.index_cast %add3A_465 : i32 to index
      %get3A_467 = tpu.vector_load %arg12[%get3A_466] {strides = array<i32>} : memref<32768xf32, #tpu.memory_space<vmem>>, vector<16xf32>,
      %add3A_468 = arith.constant 17408 : i32
      %add3A_469 = arith.addi %add3A_468, %mul3A_117 : i32
      %get3A_470 = arith.index_cast %add3A_469 : i32 to index
      %get3A_471 = tpu.vector_load %arg13[%get3A_470] {strides = array<i32>} : memref<32768xf32, #tpu.memory_space<vmem>>, vector<16xf32>,
      %mul3A_472 = arith.mulf %get3A_467, %get3A_471 : vector<16xf32>
      %add3A_473 = arith.addf %add3A_463, %mul3A_472 : vector<16xf32>
      %add3A_474 = arith.constant 17920 : i32
      %add3A_475 = arith.addi %add3A_474, %mul3A_117 : i32
      %get3A_476 = arith.index_cast %add3A_475 : i32 to index
      %get3A_477 = tpu.vector_load %arg12[%get3A_476] {strides = array<i32>} : memref<32768xf32, #tpu.memory_space<vmem>>, vector<16xf32>,
      %add3A_478 = arith.constant 17920 : i32
      %add3A_479 = arith.addi %add3A_478, %mul3A_117 : i32
      %get3A_480 = arith.index_cast %add3A_479 : i32 to index
      %get3A_481 = tpu.vector_load %arg13[%get3A_480] {strides = array<i32>} : memref<32768xf32, #tpu.memory_space<vmem>>, vector<16xf32>,
      %mul3A_482 = arith.mulf %get3A_477, %get3A_481 : vector<16xf32>
      %add3A_483 = arith.addf %add3A_473, %mul3A_482 : vector<16xf32>
      %add3A_484 = arith.constant 18432 : i32
      %add3A_485 = arith.addi %add3A_484, %mul3A_117 : i32
      %get3A_486 = arith.index_cast %add3A_485 : i32 to index
      %get3A_487 = tpu.vector_load %arg12[%get3A_486] {strides = array<i32>} : memref<32768xf32, #tpu.memory_space<vmem>>, vector<16xf32>,
      %add3A_488 = arith.constant 18432 : i32
      %add3A_489 = arith.addi %add3A_488, %mul3A_117 : i32
      %get3A_490 = arith.index_cast %add3A_489 : i32 to index
      %get3A_491 = tpu.vector_load %arg13[%get3A_490] {strides = array<i32>} : memref<32768xf32, #tpu.memory_space<vmem>>, vector<16xf32>,
      %mul3A_492 = arith.mulf %get3A_487, %get3A_491 : vector<16xf32>
      %add3A_493 = arith.addf %add3A_483, %mul3A_492 : vector<16xf32>
      %add3A_494 = arith.constant 18944 : i32
      %add3A_495 = arith.addi %add3A_494, %mul3A_117 : i32
      %get3A_496 = arith.index_cast %add3A_495 : i32 to index
      %get3A_497 = tpu.vector_load %arg12[%get3A_496] {strides = array<i32>} : memref<32768xf32, #tpu.memory_space<vmem>>, vector<16xf32>,
      %add3A_498 = arith.constant 18944 : i32
      %add3A_499 = arith.addi %add3A_498, %mul3A_117 : i32
      %get3A_500 = arith.index_cast %add3A_499 : i32 to index
      %get3A_501 = tpu.vector_load %arg13[%get3A_500] {strides = array<i32>} : memref<32768xf32, #tpu.memory_space<vmem>>, vector<16xf32>,
      %mul3A_502 = arith.mulf %get3A_497, %get3A_501 : vector<16xf32>
      %add3A_503 = arith.addf %add3A_493, %mul3A_502 : vector<16xf32>
      %add3A_504 = arith.constant 19456 : i32
      %add3A_505 = arith.addi %add3A_504, %mul3A_117 : i32
      %get3A_506 = arith.index_cast %add3A_505 : i32 to index
      %get3A_507 = tpu.vector_load %arg12[%get3A_506] {strides = array<i32>} : memref<32768xf32, #tpu.memory_space<vmem>>, vector<16xf32>,
      %add3A_508 = arith.constant 19456 : i32
      %add3A_509 = arith.addi %add3A_508, %mul3A_117 : i32
      %get3A_510 = arith.index_cast %add3A_509 : i32 to index
      %get3A_511 = tpu.vector_load %arg13[%get3A_510] {strides = array<i32>} : memref<32768xf32, #tpu.memory_space<vmem>>, vector<16xf32>,
      %mul3A_512 = arith.mulf %get3A_507, %get3A_511 : vector<16xf32>
      %add3A_513 = arith.addf %add3A_503, %mul3A_512 : vector<16xf32>
      %add3A_514 = arith.constant 19968 : i32
      %add3A_515 = arith.addi %add3A_514, %mul3A_117 : i32
      %get3A_516 = arith.index_cast %add3A_515 : i32 to index
      %get3A_517 = tpu.vector_load %arg12[%get3A_516] {strides = array<i32>} : memref<32768xf32, #tpu.memory_space<vmem>>, vector<16xf32>,
      %add3A_518 = arith.constant 19968 : i32
      %add3A_519 = arith.addi %add3A_518, %mul3A_117 : i32
      %get3A_520 = arith.index_cast %add3A_519 : i32 to index
      %get3A_521 = tpu.vector_load %arg13[%get3A_520] {strides = array<i32>} : memref<32768xf32, #tpu.memory_space<vmem>>, vector<16xf32>,
      %mul3A_522 = arith.mulf %get3A_517, %get3A_521 : vector<16xf32>
      %add3A_523 = arith.addf %add3A_513, %mul3A_522 : vector<16xf32>
      %add3A_524 = arith.constant 20480 : i32
      %add3A_525 = arith.addi %add3A_524, %mul3A_117 : i32
      %get3A_526 = arith.index_cast %add3A_525 : i32 to index
      %get3A_527 = tpu.vector_load %arg12[%get3A_526] {strides = array<i32>} : memref<32768xf32, #tpu.memory_space<vmem>>, vector<16xf32>,
      %add3A_528 = arith.constant 20480 : i32
      %add3A_529 = arith.addi %add3A_528, %mul3A_117 : i32
      %get3A_530 = arith.index_cast %add3A_529 : i32 to index
      %get3A_531 = tpu.vector_load %arg13[%get3A_530] {strides = array<i32>} : memref<32768xf32, #tpu.memory_space<vmem>>, vector<16xf32>,
      %mul3A_532 = arith.mulf %get3A_527, %get3A_531 : vector<16xf32>
      %add3A_533 = arith.addf %add3A_523, %mul3A_532 : vector<16xf32>
      %add3A_534 = arith.constant 20992 : i32
      %add3A_535 = arith.addi %add3A_534, %mul3A_117 : i32
      %get3A_536 = arith.index_cast %add3A_535 : i32 to index
      %get3A_537 = tpu.vector_load %arg12[%get3A_536] {strides = array<i32>} : memref<32768xf32, #tpu.memory_space<vmem>>, vector<16xf32>,
      %add3A_538 = arith.constant 20992 : i32
      %add3A_539 = arith.addi %add3A_538, %mul3A_117 : i32
      %get3A_540 = arith.index_cast %add3A_539 : i32 to index
      %get3A_541 = tpu.vector_load %arg13[%get3A_540] {strides = array<i32>} : memref<32768xf32, #tpu.memory_space<vmem>>, vector<16xf32>,
      %mul3A_542 = arith.mulf %get3A_537, %get3A_541 : vector<16xf32>
      %add3A_543 = arith.addf %add3A_533, %mul3A_542 : vector<16xf32>
      %add3A_544 = arith.constant 21504 : i32
      %add3A_545 = arith.addi %add3A_544, %mul3A_117 : i32
      %get3A_546 = arith.index_cast %add3A_545 : i32 to index
      %get3A_547 = tpu.vector_load %arg12[%get3A_546] {strides = array<i32>} : memref<32768xf32, #tpu.memory_space<vmem>>, vector<16xf32>,
      %add3A_548 = arith.constant 21504 : i32
      %add3A_549 = arith.addi %add3A_548, %mul3A_117 : i32
      %get3A_550 = arith.index_cast %add3A_549 : i32 to index
      %get3A_551 = tpu.vector_load %arg13[%get3A_550] {strides = array<i32>} : memref<32768xf32, #tpu.memory_space<vmem>>, vector<16xf32>,
      %mul3A_552 = arith.mulf %get3A_547, %get3A_551 : vector<16xf32>
      %add3A_553 = arith.addf %add3A_543, %mul3A_552 : vector<16xf32>
      %add3A_554 = arith.constant 22016 : i32
      %add3A_555 = arith.addi %add3A_554, %mul3A_117 : i32
      %get3A_556 = arith.index_cast %add3A_555 : i32 to index
      %get3A_557 = tpu.vector_load %arg12[%get3A_556] {strides = array<i32>} : memref<32768xf32, #tpu.memory_space<vmem>>, vector<16xf32>,
      %add3A_558 = arith.constant 22016 : i32
      %add3A_559 = arith.addi %add3A_558, %mul3A_117 : i32
      %get3A_560 = arith.index_cast %add3A_559 : i32 to index
      %get3A_561 = tpu.vector_load %arg13[%get3A_560] {strides = array<i32>} : memref<32768xf32, #tpu.memory_space<vmem>>, vector<16xf32>,
      %mul3A_562 = arith.mulf %get3A_557, %get3A_561 : vector<16xf32>
      %add3A_563 = arith.addf %add3A_553, %mul3A_562 : vector<16xf32>
      %add3A_564 = arith.constant 22528 : i32
      %add3A_565 = arith.addi %add3A_564, %mul3A_117 : i32
      %get3A_566 = arith.index_cast %add3A_565 : i32 to index
      %get3A_567 = tpu.vector_load %arg12[%get3A_566] {strides = array<i32>} : memref<32768xf32, #tpu.memory_space<vmem>>, vector<16xf32>,
      %add3A_568 = arith.constant 22528 : i32
      %add3A_569 = arith.addi %add3A_568, %mul3A_117 : i32
      %get3A_570 = arith.index_cast %add3A_569 : i32 to index
      %get3A_571 = tpu.vector_load %arg13[%get3A_570] {strides = array<i32>} : memref<32768xf32, #tpu.memory_space<vmem>>, vector<16xf32>,
      %mul3A_572 = arith.mulf %get3A_567, %get3A_571 : vector<16xf32>
      %add3A_573 = arith.addf %add3A_563, %mul3A_572 : vector<16xf32>
      %add3A_574 = arith.constant 23040 : i32
      %add3A_575 = arith.addi %add3A_574, %mul3A_117 : i32
      %get3A_576 = arith.index_cast %add3A_575 : i32 to index
      %get3A_577 = tpu.vector_load %arg12[%get3A_576] {strides = array<i32>} : memref<32768xf32, #tpu.memory_space<vmem>>, vector<16xf32>,
      %add3A_578 = arith.constant 23040 : i32
      %add3A_579 = arith.addi %add3A_578, %mul3A_117 : i32
      %get3A_580 = arith.index_cast %add3A_579 : i32 to index
      %get3A_581 = tpu.vector_load %arg13[%get3A_580] {strides = array<i32>} : memref<32768xf32, #tpu.memory_space<vmem>>, vector<16xf32>,
      %mul3A_582 = arith.mulf %get3A_577, %get3A_581 : vector<16xf32>
      %add3A_583 = arith.addf %add3A_573, %mul3A_582 : vector<16xf32>
      %add3A_584 = arith.constant 23552 : i32
      %add3A_585 = arith.addi %add3A_584, %mul3A_117 : i32
      %get3A_586 = arith.index_cast %add3A_585 : i32 to index
      %get3A_587 = tpu.vector_load %arg12[%get3A_586] {strides = array<i32>} : memref<32768xf32, #tpu.memory_space<vmem>>, vector<16xf32>,
      %add3A_588 = arith.constant 23552 : i32
      %add3A_589 = arith.addi %add3A_588, %mul3A_117 : i32
      %get3A_590 = arith.index_cast %add3A_589 : i32 to index
      %get3A_591 = tpu.vector_load %arg13[%get3A_590] {strides = array<i32>} : memref<32768xf32, #tpu.memory_space<vmem>>, vector<16xf32>,
      %mul3A_592 = arith.mulf %get3A_587, %get3A_591 : vector<16xf32>
      %add3A_593 = arith.addf %add3A_583, %mul3A_592 : vector<16xf32>
      %add3A_594 = arith.constant 24064 : i32
      %add3A_595 = arith.addi %add3A_594, %mul3A_117 : i32
      %get3A_596 = arith.index_cast %add3A_595 : i32 to index
      %get3A_597 = tpu.vector_load %arg12[%get3A_596] {strides = array<i32>} : memref<32768xf32, #tpu.memory_space<vmem>>, vector<16xf32>,
      %add3A_598 = arith.constant 24064 : i32
      %add3A_599 = arith.addi %add3A_598, %mul3A_117 : i32
      %get3A_600 = arith.index_cast %add3A_599 : i32 to index
      %get3A_601 = tpu.vector_load %arg13[%get3A_600] {strides = array<i32>} : memref<32768xf32, #tpu.memory_space<vmem>>, vector<16xf32>,
      %mul3A_602 = arith.mulf %get3A_597, %get3A_601 : vector<16xf32>
      %add3A_603 = arith.addf %add3A_593, %mul3A_602 : vector<16xf32>
      %add3A_604 = arith.constant 24576 : i32
      %add3A_605 = arith.addi %add3A_604, %mul3A_117 : i32
      %get3A_606 = arith.index_cast %add3A_605 : i32 to index
      %get3A_607 = tpu.vector_load %arg12[%get3A_606] {strides = array<i32>} : memref<32768xf32, #tpu.memory_space<vmem>>, vector<16xf32>,
      %add3A_608 = arith.constant 24576 : i32
      %add3A_609 = arith.addi %add3A_608, %mul3A_117 : i32
      %get3A_610 = arith.index_cast %add3A_609 : i32 to index
      %get3A_611 = tpu.vector_load %arg13[%get3A_610] {strides = array<i32>} : memref<32768xf32, #tpu.memory_space<vmem>>, vector<16xf32>,
      %mul3A_612 = arith.mulf %get3A_607, %get3A_611 : vector<16xf32>
      %add3A_613 = arith.addf %add3A_603, %mul3A_612 : vector<16xf32>
      %add3A_614 = arith.constant 25088 : i32
      %add3A_615 = arith.addi %add3A_614, %mul3A_117 : i32
      %get3A_616 = arith.index_cast %add3A_615 : i32 to index
      %get3A_617 = tpu.vector_load %arg12[%get3A_616] {strides = array<i32>} : memref<32768xf32, #tpu.memory_space<vmem>>, vector<16xf32>,
      %add3A_618 = arith.constant 25088 : i32
      %add3A_619 = arith.addi %add3A_618, %mul3A_117 : i32
      %get3A_620 = arith.index_cast %add3A_619 : i32 to index
      %get3A_621 = tpu.vector_load %arg13[%get3A_620] {strides = array<i32>} : memref<32768xf32, #tpu.memory_space<vmem>>, vector<16xf32>,
      %mul3A_622 = arith.mulf %get3A_617, %get3A_621 : vector<16xf32>
      %add3A_623 = arith.addf %add3A_613, %mul3A_622 : vector<16xf32>
      %add3A_624 = arith.constant 25600 : i32
      %add3A_625 = arith.addi %add3A_624, %mul3A_117 : i32
      %get3A_626 = arith.index_cast %add3A_625 : i32 to index
      %get3A_627 = tpu.vector_load %arg12[%get3A_626] {strides = array<i32>} : memref<32768xf32, #tpu.memory_space<vmem>>, vector<16xf32>,
      %add3A_628 = arith.constant 25600 : i32
      %add3A_629 = arith.addi %add3A_628, %mul3A_117 : i32
      %get3A_630 = arith.index_cast %add3A_629 : i32 to index
      %get3A_631 = tpu.vector_load %arg13[%get3A_630] {strides = array<i32>} : memref<32768xf32, #tpu.memory_space<vmem>>, vector<16xf32>,
      %mul3A_632 = arith.mulf %get3A_627, %get3A_631 : vector<16xf32>
      %add3A_633 = arith.addf %add3A_623, %mul3A_632 : vector<16xf32>
      %add3A_634 = arith.constant 26112 : i32
      %add3A_635 = arith.addi %add3A_634, %mul3A_117 : i32
      %get3A_636 = arith.index_cast %add3A_635 : i32 to index
      %get3A_637 = tpu.vector_load %arg12[%get3A_636] {strides = array<i32>} : memref<32768xf32, #tpu.memory_space<vmem>>, vector<16xf32>,
      %add3A_638 = arith.constant 26112 : i32
      %add3A_639 = arith.addi %add3A_638, %mul3A_117 : i32
      %get3A_640 = arith.index_cast %add3A_639 : i32 to index
      %get3A_641 = tpu.vector_load %arg13[%get3A_640] {strides = array<i32>} : memref<32768xf32, #tpu.memory_space<vmem>>, vector<16xf32>,
      %mul3A_642 = arith.mulf %get3A_637, %get3A_641 : vector<16xf32>
      %add3A_643 = arith.addf %add3A_633, %mul3A_642 : vector<16xf32>
      %add3A_644 = arith.constant 26624 : i32
      %add3A_645 = arith.addi %add3A_644, %mul3A_117 : i32
      %get3A_646 = arith.index_cast %add3A_645 : i32 to index
      %get3A_647 = tpu.vector_load %arg12[%get3A_646] {strides = array<i32>} : memref<32768xf32, #tpu.memory_space<vmem>>, vector<16xf32>,
      %add3A_648 = arith.constant 26624 : i32
      %add3A_649 = arith.addi %add3A_648, %mul3A_117 : i32
      %get3A_650 = arith.index_cast %add3A_649 : i32 to index
      %get3A_651 = tpu.vector_load %arg13[%get3A_650] {strides = array<i32>} : memref<32768xf32, #tpu.memory_space<vmem>>, vector<16xf32>,
      %mul3A_652 = arith.mulf %get3A_647, %get3A_651 : vector<16xf32>
      %add3A_653 = arith.addf %add3A_643, %mul3A_652 : vector<16xf32>
      %add3A_654 = arith.constant 27136 : i32
      %add3A_655 = arith.addi %add3A_654, %mul3A_117 : i32
      %get3A_656 = arith.index_cast %add3A_655 : i32 to index
      %get3A_657 = tpu.vector_load %arg12[%get3A_656] {strides = array<i32>} : memref<32768xf32, #tpu.memory_space<vmem>>, vector<16xf32>,
      %add3A_658 = arith.constant 27136 : i32
      %add3A_659 = arith.addi %add3A_658, %mul3A_117 : i32
      %get3A_660 = arith.index_cast %add3A_659 : i32 to index
      %get3A_661 = tpu.vector_load %arg13[%get3A_660] {strides = array<i32>} : memref<32768xf32, #tpu.memory_space<vmem>>, vector<16xf32>,
      %mul3A_662 = arith.mulf %get3A_657, %get3A_661 : vector<16xf32>
      %add3A_663 = arith.addf %add3A_653, %mul3A_662 : vector<16xf32>
      %add3A_664 = arith.constant 27648 : i32
      %add3A_665 = arith.addi %add3A_664, %mul3A_117 : i32
      %get3A_666 = arith.index_cast %add3A_665 : i32 to index
      %get3A_667 = tpu.vector_load %arg12[%get3A_666] {strides = array<i32>} : memref<32768xf32, #tpu.memory_space<vmem>>, vector<16xf32>,
      %add3A_668 = arith.constant 27648 : i32
      %add3A_669 = arith.addi %add3A_668, %mul3A_117 : i32
      %get3A_670 = arith.index_cast %add3A_669 : i32 to index
      %get3A_671 = tpu.vector_load %arg13[%get3A_670] {strides = array<i32>} : memref<32768xf32, #tpu.memory_space<vmem>>, vector<16xf32>,
      %mul3A_672 = arith.mulf %get3A_667, %get3A_671 : vector<16xf32>
      %add3A_673 = arith.addf %add3A_663, %mul3A_672 : vector<16xf32>
      %add3A_674 = arith.constant 28160 : i32
      %add3A_675 = arith.addi %add3A_674, %mul3A_117 : i32
      %get3A_676 = arith.index_cast %add3A_675 : i32 to index
      %get3A_677 = tpu.vector_load %arg12[%get3A_676] {strides = array<i32>} : memref<32768xf32, #tpu.memory_space<vmem>>, vector<16xf32>,
      %add3A_678 = arith.constant 28160 : i32
      %add3A_679 = arith.addi %add3A_678, %mul3A_117 : i32
      %get3A_680 = arith.index_cast %add3A_679 : i32 to index
      %get3A_681 = tpu.vector_load %arg13[%get3A_680] {strides = array<i32>} : memref<32768xf32, #tpu.memory_space<vmem>>, vector<16xf32>,
      %mul3A_682 = arith.mulf %get3A_677, %get3A_681 : vector<16xf32>
      %add3A_683 = arith.addf %add3A_673, %mul3A_682 : vector<16xf32>
      %add3A_684 = arith.constant 28672 : i32
      %add3A_685 = arith.addi %add3A_684, %mul3A_117 : i32
      %get3A_686 = arith.index_cast %add3A_685 : i32 to index
      %get3A_687 = tpu.vector_load %arg12[%get3A_686] {strides = array<i32>} : memref<32768xf32, #tpu.memory_space<vmem>>, vector<16xf32>,
      %add3A_688 = arith.constant 28672 : i32
      %add3A_689 = arith.addi %add3A_688, %mul3A_117 : i32
      %get3A_690 = arith.index_cast %add3A_689 : i32 to index
      %get3A_691 = tpu.vector_load %arg13[%get3A_690] {strides = array<i32>} : memref<32768xf32, #tpu.memory_space<vmem>>, vector<16xf32>,
      %mul3A_692 = arith.mulf %get3A_687, %get3A_691 : vector<16xf32>
      %add3A_693 = arith.addf %add3A_683, %mul3A_692 : vector<16xf32>
      %add3A_694 = arith.constant 29184 : i32
      %add3A_695 = arith.addi %add3A_694, %mul3A_117 : i32
      %get3A_696 = arith.index_cast %add3A_695 : i32 to index
      %get3A_697 = tpu.vector_load %arg12[%get3A_696] {strides = array<i32>} : memref<32768xf32, #tpu.memory_space<vmem>>, vector<16xf32>,
      %add3A_698 = arith.constant 29184 : i32
      %add3A_699 = arith.addi %add3A_698, %mul3A_117 : i32
      %get3A_700 = arith.index_cast %add3A_699 : i32 to index
      %get3A_701 = tpu.vector_load %arg13[%get3A_700] {strides = array<i32>} : memref<32768xf32, #tpu.memory_space<vmem>>, vector<16xf32>,
      %mul3A_702 = arith.mulf %get3A_697, %get3A_701 : vector<16xf32>
      %add3A_703 = arith.addf %add3A_693, %mul3A_702 : vector<16xf32>
      %add3A_704 = arith.constant 29696 : i32
      %add3A_705 = arith.addi %add3A_704, %mul3A_117 : i32
      %get3A_706 = arith.index_cast %add3A_705 : i32 to index
      %get3A_707 = tpu.vector_load %arg12[%get3A_706] {strides = array<i32>} : memref<32768xf32, #tpu.memory_space<vmem>>, vector<16xf32>,
      %add3A_708 = arith.constant 29696 : i32
      %add3A_709 = arith.addi %add3A_708, %mul3A_117 : i32
      %get3A_710 = arith.index_cast %add3A_709 : i32 to index
      %get3A_711 = tpu.vector_load %arg13[%get3A_710] {strides = array<i32>} : memref<32768xf32, #tpu.memory_space<vmem>>, vector<16xf32>,
      %mul3A_712 = arith.mulf %get3A_707, %get3A_711 : vector<16xf32>
      %add3A_713 = arith.addf %add3A_703, %mul3A_712 : vector<16xf32>
      %add3A_714 = arith.constant 30208 : i32
      %add3A_715 = arith.addi %add3A_714, %mul3A_117 : i32
      %get3A_716 = arith.index_cast %add3A_715 : i32 to index
      %get3A_717 = tpu.vector_load %arg12[%get3A_716] {strides = array<i32>} : memref<32768xf32, #tpu.memory_space<vmem>>, vector<16xf32>,
      %add3A_718 = arith.constant 30208 : i32
      %add3A_719 = arith.addi %add3A_718, %mul3A_117 : i32
      %get3A_720 = arith.index_cast %add3A_719 : i32 to index
      %get3A_721 = tpu.vector_load %arg13[%get3A_720] {strides = array<i32>} : memref<32768xf32, #tpu.memory_space<vmem>>, vector<16xf32>,
      %mul3A_722 = arith.mulf %get3A_717, %get3A_721 : vector<16xf32>
      %add3A_723 = arith.addf %add3A_713, %mul3A_722 : vector<16xf32>
      %add3A_724 = arith.constant 30720 : i32
      %add3A_725 = arith.addi %add3A_724, %mul3A_117 : i32
      %get3A_726 = arith.index_cast %add3A_725 : i32 to index
      %get3A_727 = tpu.vector_load %arg12[%get3A_726] {strides = array<i32>} : memref<32768xf32, #tpu.memory_space<vmem>>, vector<16xf32>,
      %add3A_728 = arith.constant 30720 : i32
      %add3A_729 = arith.addi %add3A_728, %mul3A_117 : i32
      %get3A_730 = arith.index_cast %add3A_729 : i32 to index
      %get3A_731 = tpu.vector_load %arg13[%get3A_730] {strides = array<i32>} : memref<32768xf32, #tpu.memory_space<vmem>>, vector<16xf32>,
      %mul3A_732 = arith.mulf %get3A_727, %get3A_731 : vector<16xf32>
      %add3A_733 = arith.addf %add3A_723, %mul3A_732 : vector<16xf32>
      %add3A_734 = arith.constant 31232 : i32
      %add3A_735 = arith.addi %add3A_734, %mul3A_117 : i32
      %get3A_736 = arith.index_cast %add3A_735 : i32 to index
      %get3A_737 = tpu.vector_load %arg12[%get3A_736] {strides = array<i32>} : memref<32768xf32, #tpu.memory_space<vmem>>, vector<16xf32>,
      %add3A_738 = arith.constant 31232 : i32
      %add3A_739 = arith.addi %add3A_738, %mul3A_117 : i32
      %get3A_740 = arith.index_cast %add3A_739 : i32 to index
      %get3A_741 = tpu.vector_load %arg13[%get3A_740] {strides = array<i32>} : memref<32768xf32, #tpu.memory_space<vmem>>, vector<16xf32>,
      %mul3A_742 = arith.mulf %get3A_737, %get3A_741 : vector<16xf32>
      %add3A_743 = arith.addf %add3A_733, %mul3A_742 : vector<16xf32>
      %add3A_744 = arith.constant 31744 : i32
      %add3A_745 = arith.addi %add3A_744, %mul3A_117 : i32
      %get3A_746 = arith.index_cast %add3A_745 : i32 to index
      %get3A_747 = tpu.vector_load %arg12[%get3A_746] {strides = array<i32>} : memref<32768xf32, #tpu.memory_space<vmem>>, vector<16xf32>,
      %add3A_748 = arith.constant 31744 : i32
      %add3A_749 = arith.addi %add3A_748, %mul3A_117 : i32
      %get3A_750 = arith.index_cast %add3A_749 : i32 to index
      %get3A_751 = tpu.vector_load %arg13[%get3A_750] {strides = array<i32>} : memref<32768xf32, #tpu.memory_space<vmem>>, vector<16xf32>,
      %mul3A_752 = arith.mulf %get3A_747, %get3A_751 : vector<16xf32>
      %add3A_753 = arith.addf %add3A_743, %mul3A_752 : vector<16xf32>
      %add3A_754 = arith.constant 32256 : i32
      %add3A_755 = arith.addi %add3A_754, %mul3A_117 : i32
      %get3A_756 = arith.index_cast %add3A_755 : i32 to index
      %get3A_757 = tpu.vector_load %arg12[%get3A_756] {strides = array<i32>} : memref<32768xf32, #tpu.memory_space<vmem>>, vector<16xf32>,
      %add3A_758 = arith.constant 32256 : i32
      %add3A_759 = arith.addi %add3A_758, %mul3A_117 : i32
      %get3A_760 = arith.index_cast %add3A_759 : i32 to index
      %get3A_761 = tpu.vector_load %arg13[%get3A_760] {strides = array<i32>} : memref<32768xf32, #tpu.memory_space<vmem>>, vector<16xf32>,
      %mul3A_762 = arith.mulf %get3A_757, %get3A_761 : vector<16xf32>
      %add3A_763 = arith.addf %add3A_753, %mul3A_762 : vector<16xf32>
      %swap3A = arith.index_cast %mul3A_117 : i32 to index
      %swap3A_764 = tpu.vector_load %arg17[%swap3A] {strides = array<i32>} : memref<512xf32, #tpu.memory_space<vmem>>, vector<16xf32>,
      tpu.vector_store %arg17[%swap3A], %add3A_763 {strides = array<i32>} : memref<512xf32, #tpu.memory_space<vmem>>, vector<16xf32>,
    }
    %scan3A_114 = arith.constant 32 : i32
    "tpu.region"() ({
      %run_scoped3A = tpu.sem_alloc : memref<!tpu.dma_semaphore, #tpu.memory_space<semaphore_mem>>
      %dma_start3A_115 = tpu.memref_slice %arg9[%mul3A_2] : memref<16384xf32, #tpu.memory_space<hbm>> -> memref<512xf32, #tpu.memory_space<hbm>>
      %dma_start3A_116 = tpu.memref_slice %arg9[%mul3A_2] : memref<16384xf32, #tpu.memory_space<hbm>> -> memref<512xf32, #tpu.memory_space<hbm>>
      tpu.enqueue_dma source(%arg17 : memref<512xf32, #tpu.memory_space<vmem>>) target(%dma_start3A_116 : memref<512xf32, #tpu.memory_space<hbm>>) target_semaphore(%run_scoped3A : memref<!tpu.dma_semaphore, #tpu.memory_space<semaphore_mem>>)
      %dma_wait3A_117 = tpu.memref_slice %arg9[%mul3A_2] : memref<16384xf32, #tpu.memory_space<hbm>> -> memref<512xf32, #tpu.memory_space<hbm>>
      %dma_wait3A_118 = tpu.memref_slice %arg9[%mul3A_2] : memref<16384xf32, #tpu.memory_space<hbm>> -> memref<512xf32, #tpu.memory_space<hbm>>
      tpu.wait_dma2 semaphore(%run_scoped3A : memref<!tpu.dma_semaphore, #tpu.memory_space<semaphore_mem>>) src(%arg17 : memref<512xf32, #tpu.memory_space<vmem>>) dst(%dma_wait3A_118 : memref<512xf32, #tpu.memory_space<hbm>>)
      tpu.yield
    }) : () -> ()
    return
  }
}

</mosaic_0001>

<sc_bundles>
// kernel: kernel.3.cloned.1.call-start
scs
__scs_entry_jumppad:
0x0: {  	(pc) =	sbr.rel $0x88, $3  }
0x1: {  	(tag) =	ssettag $0x0;
	lr =	simm.s32 $0x1  }
0x2: {  	[smem:$0x3F9A] =	sst lr;
	_ =	strace $0xD0000000  }
0x3: {  	_ = 	snop  }
0x4: {  	_ = 	snop  }
0x5: {  	_ = 	snop  }
0x6: {  	_ = 	snop  }
0x7: {  	_ = 	snop  }
__scs_overlays_trampoline_lowered:
0x8: {  	[smem:$0x3FA9] =	sst s0  }
0x9: {  	[smem:$0x3FAA] =	sst s1  }
0xa: {  	[smem:$0x3FAB] =	sst s2  }
0xb: {  	[smem:$0x3FAC] =	sst s3  }
0xc: {  	[smem:$0x3FAD] =	sst s4  }
0xd: {  	[smem:$0x3FAE] =	sst s5  }
0xe: {  	[smem:$0x3FAF] =	sst s6  }
0xf: {  	[smem:$0x3FB0] =	sst s7  }
0x10: {  	[smem:$0x3FB1] =	sst s8  }
0x11: {  	[smem:$0x3FB2] =	sst s9;
	s0 =	simm.s32 @!p0 $0x0  }
0x12: {  	s1 =	sld [smem:$0x3F98];
	s0 =	simm.s32 @p0 $0x1  }
0x13: {  	[smem:$0x3FB3] =	sst s0;
	s0 =	simm.s32 @!p1 $0x0  }
0x14: {  	s2 =	sld [smem:$0x3F97];
	s0 =	simm.s32 @p1 $0x1  }
0x15: {  	[smem:$0x3FB4] =	sst s0;
	s0 =	simm.s32 @!p2 $0x0  }
0x16: {  	s3 =	sld [smem:$0x3FDB];
	s0 =	simm.s32 @p2 $0x1  }
0x17: {  	s4 =	simm.s32 $0x1BF5;
	[smem:$0x3FB6] =	sst s0  }
0x18: {  	s0 =	sld [smem:$0x3F99];
	_ =	swait.ge [sflag:s4], $0x0  }
0x19: {  	s7 =	sld [smem:$0x3F9A]  }
0x1a: {  	s8 =	sadd.s32 $0xFFFFE003, lr  }
0x1b: {  	s9 =	sadd.s32 $0xFFFFFEF7, lr;
	s5 =	simm.s32 $0xFFFFFFFF;
	p2 =	slt.u32 s8, $0xFFFFF086  }
0x1c: {  	p1 =	slt.u32 s9, $0xF7A;
	s5 =	simm.s32 @!p2 $0x0  }
0x1d: {  	s5 =	simm.s32 @p1 $0x1;
	p0 =	seq.s32 s7, s2  }
0x1e: {  	s7 =	smul.u32 @!p0 $0xF7A, s2;
	p2 =	seq.s32 @!p0 s5, $0x0  }
0x1f: {  	s9 =	smul.u32 $0xF7A, s1;
	s8 =	simm.s32 @!p0 $0x1BF5;
	p2 =	por !p2, p0  }
0x20: {  	[sflag:s8] =	ssyncset.s32 @!p0 $0xFFFFF086;
	s6 =	sadd.s32 @!p0 s3, s7;
	s7 =	simm.s32 @!p0 $0x108  }
0x21: {  	s3 =	sadd.s32 s3, s9;
	s6 =	sadd.s32 @!p0 $0x88, s6;
	s7 =	simm.s32 @p2 $0x1082  }
0x22: {  	[simem:s7], [sflag:s8] =	dma.local @!p0 [hbm:s6], $0xF7A  }
0x23: {  	s9 =	sor.u32 $0xD0000000, s2;
	s6 =	simm.s32 $0x108;
	_ =	swait.ge @!p0 [sflag:s8], $0x0  }
0x24: {  	s3 =	sadd.s32 $0x88, s3;
	s6 =	simm.s32 @!p1 $0x1082;
	[sflag:s4] =	ssyncset.s32 $0xFFFFF086  }
0x25: {  	[simem:s6], [sflag:s4] =	dma.local [hbm:s3], $0xF7A  }
0x26: {  	[smem:$0x3F9A] =	sst s1;
	(tag) =	ssettag s2;
	_ =	strace s9  }
0x27: {  	s1 =	sld [smem:$0x3FAA]  }
0x28: {  	s2 =	sld [smem:$0x3FAB]  }
0x29: {  	s4 =	sld [smem:$0x3FAD]  }
0x2a: {  	p0 =	seq.s32 s5, $0x0;
	s5 =	sld [smem:$0x3FAE]  }
0x2b: {  	s6 =	sld [smem:$0x3FAF]  }
0x2c: {  	s7 =	sld [smem:$0x3FB0]  }
0x2d: {  	s3 =	simm.s32 $0x108;
	s8 =	sld [smem:$0x3FB1]  }
0x2e: {  	s3 =	simm.s32 @!p0 $0x1082;
	s9 =	sld [smem:$0x3FB2]  }
0x2f: {  	lr =	sadd.s32 s0, s3;
	s0 =	sld [smem:$0x3FA9]  }
0x30: {  	s3 =	sld [smem:$0x3FAC]  }
0x31: {  	[smem:$0x3FB5] =	sst s10  }
0x32: {  	s10 =	sld [smem:$0x3FB3];
	_ =	sdelay $0x3  }
0x33: {  	p0 =	seq.s32 s10, $0x1;
	s10 =	sld [smem:$0x3FB5];
	_ =	sdelay $0x3  }
0x34: {  	[smem:$0x3FB5] =	sst s10  }
0x35: {  	s10 =	sld [smem:$0x3FB4];
	_ =	sdelay $0x3  }
0x36: {  	p1 =	seq.s32 s10, $0x1;
	s10 =	sld [smem:$0x3FB5];
	_ =	sdelay $0x3  }
0x37: {  	[smem:$0x3FB5] =	sst s10  }
0x38: {  	s10 =	sld [smem:$0x3FB6]  }
0x39: {  	_ = 	snop;
	(pc) =	sbr.ind lr, $3  }
0x3a: {  	_ = 	snop  }
0x3b: {  	_ = 	snop  }
0x3c: {  	p2 =	seq.s32 s10, $0x1;
	s10 =	sld [smem:$0x3FB5]  }
0x3d: {  	_ =	shalt  }
0x3e: {  	_ =	shalt  }
0x3f: {  	_ =	shalt  }
0x40: {  	_ =	shalt  }
0x41: {  	_ =	shalt  }
0x42: {  	_ =	shalt  }
0x43: {  	_ =	shalt  }
0x44: {  	_ =	shalt  }
0x45: {  	_ =	shalt  }
0x46: {  	_ =	shalt  }
0x47: {  	_ =	shalt  }
0x48: {  	_ =	shalt  }
0x49: {  	_ =	shalt  }
0x4a: {  	_ =	shalt  }
0x4b: {  	_ =	shalt  }
0x4c: {  	_ =	shalt  }
0x4d: {  	_ =	shalt  }
0x4e: {  	_ =	shalt  }
0x4f: {  	_ =	shalt  }
0x50: {  	_ =	shalt  }
0x51: {  	_ =	shalt  }
0x52: {  	_ =	shalt  }
0x53: {  	_ =	shalt  }
0x54: {  	_ =	shalt  }
0x55: {  	_ =	shalt  }
0x56: {  	_ =	shalt  }
0x57: {  	_ =	shalt  }
0x58: {  	_ =	shalt  }
0x59: {  	_ =	shalt  }
0x5a: {  	_ =	shalt  }
0x5b: {  	_ =	shalt  }
0x5c: {  	_ =	shalt  }
0x5d: {  	_ =	shalt  }
0x5e: {  	_ =	shalt  }
0x5f: {  	_ =	shalt  }
0x60: {  	_ =	shalt  }
0x61: {  	_ =	shalt  }
0x62: {  	_ =	shalt  }
0x63: {  	_ =	shalt  }
0x64: {  	_ =	shalt  }
0x65: {  	_ =	shalt  }
0x66: {  	_ =	shalt  }
0x67: {  	_ =	shalt  }
0x68: {  	_ =	shalt  }
0x69: {  	_ =	shalt  }
0x6a: {  	_ =	shalt  }
0x6b: {  	_ =	shalt  }
0x6c: {  	_ =	shalt  }
0x6d: {  	_ =	shalt  }
0x6e: {  	_ =	shalt  }
0x6f: {  	_ =	shalt  }
0x70: {  	_ =	shalt  }
0x71: {  	_ =	shalt  }
0x72: {  	_ =	shalt  }
0x73: {  	_ =	shalt  }
0x74: {  	_ =	shalt  }
0x75: {  	_ =	shalt  }
0x76: {  	_ =	shalt  }
0x77: {  	_ =	shalt  }
0x78: {  	_ =	shalt  }
0x79: {  	_ =	shalt  }
0x7a: {  	_ =	shalt  }
0x7b: {  	_ =	shalt  }
0x7c: {  	_ =	shalt  }
0x7d: {  	_ =	shalt  }
0x7e: {  	_ =	shalt  }
0x7f: {  	_ =	shalt  }
0x80: {  	_ =	shalt  }
0x81: {  	_ =	shalt  }
0x82: {  	_ =	shalt  }
0x83: {  	_ =	shalt  }
0x84: {  	_ =	shalt  }
0x85: {  	_ =	shalt  }
0x86: {  	_ =	shalt  }
0x87: {  	_ =	shalt  }
.Lfunc_end0:
.L_simem_size_0:
called_computation_lowered:
.L_overlay_start_0:
0x88: {  	s2 =	sld [smem:$0x3FD9]  }
0x89: {  	s3 =	sld [smem:$0x3FFE];
	_ =	sdelay $0x1  }
0x8a: {  	s1 =	srdreg.scid  }
0x8b: {  	s0 =	sand.u32 $0x1, s1  }
0x8c: {  	s17 =	sshll.u32 s0, $0xA;
	s2 =	sadd.s32 s3, s2  }
0x8d: {  	s2 =	sadd.s32 s2, s17  }
0x8e: {  	[smem:$0x3FC1] =	sst s2  }
0x8f: {  	_ = 	snop  }
0x90: {  	s2 =	sld [smem:$0x3FC9]  }
0x91: {  	s18 =	sld [smem:$0x3FC8]  }
0x92: {  	s4 =	sld [smem:$0x3FD0];
	(tm) =	ssettm $0x1  }
0x93: {  	s5 =	sld [smem:$0x3FFB];
	_ =	sdelay $0x3  }
0x94: {  	_ =	strace s5  }
0x95: {  	s5 =	sld [smem:$0x3FFC];
	_ =	sdelay $0x3  }
0x96: {  	_ =	strace s5  }
0x97: {  	s5 =	sld [smem:$0x3FFD];
	_ =	sdelay $0x3  }
0x98: {  	_ =	strace s5  }
0x99: {  	_ =	strace $0x8FFFFFFF  }
0x9a: {  	s19 =	sld [smem:$0x3FDB];
	_ =	sdelay $0x1  }
0x9b: {  	s6 =	simm.s32 $_scs_section_size  }
0x9c: {  	s7 =	simm.s32 $_size__tile_overlayer_lowered;
	s8 =	simm.s32 $_tile_overlayer_lowered  }
0x9d: {  	s22 =	simm.s32 $0x1BFF;
	s21 =	sshll.u32 s8, $0x1;
	s5 =	sadd.s32 s6, s19  }
0x9e: {  	s9 =	simm.s32 $0x0;
	s20 =	sshll.u32 s7, $0x1;
	s7 =	sadd.s32 s21, s5  }
0x9f: {  	[timem:s9], [sflag:s22] =	dma.local [hbm:s7], s20  }
0xa0: {  	_ =	swait.ge [sflag:s22], s20  }
0xa1: {  	s6 =	ssub.s32 $0x0, s20;
	[sflag:s22] =	ssyncset.done $0x0  }
0xa2: {  	[sflag:s22] =	ssyncadd.s32 s6;
	_ =	sdelay $0x1  }
0xa3: {  	s23 =	simm.s32 $0x1B8B  }
0xa4: {  	_ =	swait.ge [sflag:s23], $0x1  }
0xa5: {  	[sflag:s23] =	ssyncset.done $0x0  }
0xa6: {  	s25 =	simm.s32 $0x1B8E;
	s24 =	sld [smem:$0x3FFE];
	[sflag:s23] =	ssyncadd.s32 $0xFFFFFFFF  }
0xa7: {  	s26 =	simm.s32 $execute0_lowered;
	[smem:$0x3FD2] =	sst s25  }
0xa8: {  	s7 =	sshll.u32 s26, $0x1;
	_ =	strace $0x80000046;
	[dreg:$0x1] =	wrdreg $0xFFFFFFFF  }
0xa9: {  	s28 =	simm.s32 $_size_execute0_lowered;
	s5 =	sadd.s32 s5, s7;
	[dreg:$0x0] =	wrdreg $0x0  }
0xaa: {  	s7 =	sshll.u32 s28, $0x1;
	[dreg:$0x2] =	wrdreg s5  }
0xab: {  	[dreg:$0x3] =	wrdreg s7  }
0xac: {  	[dreg:$0x4] =	wrdreg $0xC0  }
0xad: {  	_ =	task [dreg:s9], $0x5FFFF  }
0xae: {  	[dreg:$0x1] =	wrdreg $0xFFFFFFFF  }
0xaf: {  	[dreg:$0x0] =	wrdreg $0x60  }
0xb0: {  	[dreg:$0x2] =	wrdreg s2  }
0xb1: {  	[dreg:$0x3] =	wrdreg s18  }
0xb2: {  	[dreg:$0x4] =	wrdreg s24  }
0xb3: {  	[dreg:$0x5] =	wrdreg s4  }
0xb4: {  	[dreg:$0x6] =	wrdreg $0x9  }
0xb5: {  	_ =	task.clear_ibuf [dreg:s9], $0x7FFFF;
	_ =	strace $0x90000046  }
0xb6: {  	s29 =	simm.s32 $0x9;
	_ =	strace $0x80000048  }
0xb7: {  	_ =	swait.ge [sflag:s29], $0x1  }
0xb8: {  	[sflag:s29] =	ssyncadd.s32 $0xFFFFFFFF  }
0xb9: {  	_ =	strace $0x90000048  }
0xba: {  	_ =	sfence  }
0xbb: {  	s30 =	sld [smem:$0x0];
	_ =	sdelay $0x2  }
0xbc: {  	s31 =	sshll.u32 s1, $0xD;
	s1 =	sshrl.u32 s1, $0x2  }
0xbd: {  	s3 =	sand.u32 $0x4000, s31;
	s1 =	sadd.s32 s1, s30  }
0xbe: {  	s0 =	sor.u32 s3, s0;
	s1 =	sshll.u32 s1, $0x11  }
0xbf: {  	s0 =	sor.u32 s1, s0  }
0xc0: {  	s0 =	sadd.s32 $0x8F2B, s0  }
0xc1: {  	[sflag:s0] =	ssyncadd.remote.s32 $0x1  }
0xc2: {  	_ =	sfence.sel $0xFFFF  }
0xc3: {  	[dreg:$0x0] =	wrdreg $0xFFFFFFFF;
	(pc) =	sbr.abs _section_cstart, $3  }
0xc4: {  	[dreg:$0x1] =	wrdreg $0xFFFFFFFF  }
0xc5: {  	_ =	task.clear_ibuf [dreg:s9], $0x2FFFF;
	_ =	strace $0x9FFFFFFF  }
0xc6: {  	(tm) =	ssettm $0x7FFFFFFF  }
0xc7: {  	_ =	shalt  }
tec
execute0_lowered:
.L_overlay_start_1:
0x0: {  	(tag) =	ssettag $0x1  }
0x1: {  	s0 =	rddreg [dreg:$0x0]  }
0x2: {  	s3 =	rddreg [dreg:$0x1]  }
0x3: {  	s1 =	rddreg [dreg:$0x2]  }
0x4: {  	s10 =	rddreg [dreg:$0x3];
	s2 =	simm.s32 $0x0  }
0x5: {  	s6 =	srdreg.scid;
	s9 =	stileid.u32;
	s13 =	simm.s32 $0x200  }
0x6: {  	s15 =	simm.s32 $0x80;
	s22 =	simm.s32 $0x10500;
	s23 =	simm.s32 $0x300  }
0x7: {  	s24 =	simm.s32 $0x10700;
	s25 =	simm.s32 $0x180;
	s26 =	simm.s32 $0x10580  }
0x8: {  	s28 =	simm.s32 $0x380;
	s29 =	simm.s32 $0x10780;
	s30 =	simm.s32 $0x1  }
0x9: {  	s31 =	simm.s32 $0x2;
	[smem:$0x7FF] =	sst s2;
	s4 =	sadd.s32 $0x7A1200, s1  }
0xa: {  	s5 =	sadd.s32 $0x864800, s1;
	s6 =	sand.u32 $0x1, s6;
	s9 =	sshll.u32 s9, $0x6  }
0xb: {  	_ =	strace $0x80000047;
	s8 =	ssub.s32 $0x2, s6;
	s7 =	sshll.u32 s6, $0xA  }
0xc: {  	s6 =	sadd.s32 $0x883200, s1;
	s11 =	sshrl.u32 s8, $0x1;
	s12 =	sor.u32 s9, s7  }
0xd: {  	s7 =	sadd.s32 $0x886400, s1;
	s11 =	ssub.s32 s8, s11;
	s8 =	sadd.s32 s0, s12  }
0xe: {  	s9 =	sadd.s32 s3, s12;
	s10 =	sadd.s32 s10, s12;
	s12 =	simm.s32 $0x3  }
0xf: {  	s0 =	simm.s32 $0x10810;
	s3 =	simm.s32 $0x0;
	s11 =	smax.u32 s11, $0x1  }
.LBB2_1:
0x10: {  	[tilespmem:s2], [sflag:$0x3] =	stream.linear.gather [hbm4b:s8+s2], $0x200, $0x38;
	[tilespmem:$0x10A10] =	vst v63  }
0x11: {  	_ =	swait.ge [sflag:s12], $0x200  }
0x12: {  	[sflag:s12] =	ssyncset.done $0x0  }
0x13: {  	[sflag:s12] =	ssyncadd.s32 $0xFFFFFE00  }
0x14: {  	[tilespmem:s13], [sflag:$0x3] =	stream.linear.gather [hbm4b:s9+s2], $0x200, $0x38;
	[tilespmem:$0x10A10] =	vst v63  }
0x15: {  	_ =	swait.ge [sflag:s12], $0x200  }
0x16: {  	[sflag:s12] =	ssyncset.done $0x0  }
0x17: {  	s14 =	simm.s32 $0x10800;
	[sflag:s12] =	ssyncadd.s32 $0xFFFFFE00  }
0x18: {  	[tilespmem:s14], [sflag:$0x3] =	stream.linear.gather [hbm4b:s7+s2], $0x10, $0x38;
	[tilespmem:$0x10A10] =	vst v63  }
0x19: {  	_ =	swait.ge [sflag:s12], $0x10  }
0x1a: {  	[sflag:s12] =	ssyncset.done $0x0  }
0x1b: {  	s20 =	simm.s32 $0x10400;
	[sflag:s12] =	ssyncadd.s32 $0xFFFFFFF0  }
0x1c: {  	[tilespmem:s20], [sflag:$0x2] =	stream.indirect.gather [hbm4b:s5+s15], $0x1, s2, s15, $0xb8;
	[tilespmem:$0x10A10] =	vst v63  }
0x1d: {  	s21 =	simm.s32 $0x10600  }
0x1e: {  	[tilespmem:s21], [sflag:$0x2] =	stream.indirect.gather [hbm4b:s6+s15], $0x1, s13, s15, $0xb8;
	[tilespmem:$0x10A10] =	vst v63  }
0x1f: {  	s16 =	simm.s32 $0x10480  }
0x20: {  	[tilespmem:s16], [sflag:$0x2] =	stream.indirect.gather [hbm4b:s5+s15], $0x1, s15, s15, $0xb8;
	[tilespmem:$0x10A10] =	vst v63  }
0x21: {  	s17 =	simm.s32 $0x280;
	s16 =	simm.s32 $0x10680  }
0x22: {  	[tilespmem:s16], [sflag:$0x2] =	stream.indirect.gather [hbm4b:s6+s15], $0x1, s17, s15, $0xb8;
	[tilespmem:$0x10A10] =	vst v63  }
0x23: {  	s18 =	simm.s32 $0x100  }
0x24: {  	[tilespmem:s22], [sflag:$0x2] =	stream.indirect.gather [hbm4b:s5+s15], $0x1, s18, s15, $0xb8;
	[tilespmem:$0x10A10] =	vst v63  }
0x25: {  	s19 =	simm.s32 $0x0  }
0x26: {  	[tilespmem:s24], [sflag:$0x2] =	stream.indirect.gather [hbm4b:s6+s15], $0x1, s23, s15, $0xb8;
	[tilespmem:$0x10A10] =	vst v63  }
0x27: {  	s14 =	simm.s32 $0x8400;
	s17 =	smul.u32 $0x1E848, s19  }
0x28: {  	[tilespmem:s26], [sflag:$0x2] =	stream.indirect.gather [hbm4b:s5+s15], $0x1, s25, s15, $0xb8;
	[tilespmem:$0x10A10] =	vst v63  }
0x29: {  	s16 =	simm.s32 $0x400;
	s19 =	smul.u32 $0x30D4, s19;
	s18 =	sand.u32 $0x180, s2  }
0x2a: {  	[tilespmem:s29], [sflag:$0x2] =	stream.indirect.gather [hbm4b:s6+s15], $0x1, s28, s15, $0xb8;
	[tilespmem:$0x10A10] =	vst v63  }
0x2b: {  	s17 =	sadd.s32 s1, s17;
	s21 =	sadd.s32 s4, s19;
	s19 =	simm.s32 $0x0  }
0x2c: {  	[tilespmem:s16], [sflag:$0x1] =	stream.indirect.gather [hbm4b:s17+s15], $0x1, s18, s15, $0xb8;
	[tilespmem:$0x10A10] =	vst v63  }
0x2d: {  	s20 =	sor.u32 $0x200, s18;
	s18 =	simm.s32 $0x2;
	s17 =	simm.s32 $0x0  }
0x2e: {  	[tilespmem:s14], [sflag:$0x1] =	stream.indirect.gather [hbm4b:s21+s15], $0x1, s20, s15, $0xb8;
	[tilespmem:$0x10A10] =	vst v63  }
.LBB2_2:
0x2f: {  	p0 =	sne.s32 s18, $0xFF;
	s20 =	smul.u32 $0x1E848, s19  }
0x30: {  	s16 =	sadd.s32 $0x80, s16;
	s17 =	sadd.s32 $0x80, s17;
	s19 =	smul.u32 $0x30D4, s19  }
.Ltmp0:
0x31: {  	s21 =	sand.u32 $0x180, s17;
	s20 =	sadd.s32 s1, s20;
	(pc) =	sbr.rel @p0 .LBB2_2-.Ltmp0, $4  }
0x32: {  	[tilespmem:s16], [sflag:$0x1] =	stream.indirect.gather [hbm4b:s20+s15], $0x1, s21, s15, $0xb8;
	[tilespmem:$0x10A10] =	vst v63  }
0x33: {  	s14 =	sadd.s32 $0x80, s14;
	s19 =	sadd.s32 s4, s19;
	s20 =	sor.u32 $0x200, s21  }
0x34: {  	[tilespmem:s14], [sflag:$0x1] =	stream.indirect.gather [hbm4b:s19+s15], $0x1, s20, s15, $0xb8;
	[tilespmem:$0x10A10] =	vst v63  }
0x35: {  	s19 =	sshrl.u32 s18, $0x2;
	s18 =	sadd.s32 $0x1, s18  }
0x36: {  	s18 =	smul.u32 $0x1E848, s19  }
0x37: {  	s16 =	sadd.s32 $0x80, s16;
	s17 =	sadd.s32 $0x80, s17  }
0x38: {  	s21 =	smul.u32 $0x30D4, s19;
	s17 =	sand.u32 $0x180, s17;
	s18 =	sadd.s32 s1, s18  }
0x39: {  	[tilespmem:s16], [sflag:$0x1] =	stream.indirect.gather [hbm4b:s18+s15], $0x1, s17, s15, $0xb8;
	[tilespmem:$0x10A10] =	vst v63  }
0x3a: {  	s14 =	sadd.s32 $0x80, s14;
	s20 =	sor.u32 $0x200, s17;
	s21 =	sadd.s32 s4, s21  }
0x3b: {  	[tilespmem:s14], [sflag:$0x1] =	stream.indirect.gather [hbm4b:s21+s15], $0x1, s20, s15, $0xb8;
	[tilespmem:$0x10A10] =	vst v63  }
0x3c: {  	_ =	swait.ge [sflag:s30], $0x80  }
0x3d: {  	[sflag:s30] =	ssyncset.done $0x0  }
0x3e: {  	[sflag:s30] =	ssyncadd.s32 $0xFFFFFF80  }
0x3f: {  	_ =	swait.ge [sflag:s30], $0x80  }
0x40: {  	s14 =	simm.s32 $0xFF;
	[sflag:s30] =	ssyncset.done $0x0  }
.LBB2_4:
0x41: {  	p0 =	sne.s32 s14, $0x1;
	s14 =	sadd.s32 $0xFFFFFFFF, s14;
	[sflag:s30] =	ssyncadd.s32 $0xFFFFFF80  }
.Ltmp1:
0x42: {  	_ =	swait.ge [sflag:s30], $0x80;
	(pc) =	sbr.rel @p0 .LBB2_4-.Ltmp1, $4  }
0x43: {  	[sflag:s30] =	ssyncset.done $0x0  }
0x44: {  	[sflag:s30] =	ssyncadd.s32 $0xFFFFFF80  }
0x45: {  	_ =	swait.ge [sflag:s30], $0x80  }
0x46: {  	[sflag:s30] =	ssyncset.done $0x0  }
0x47: {  	[sflag:s30] =	ssyncadd.s32 $0xFFFFFF80  }
0x48: {  	_ =	swait.ge [sflag:s31], $0x80  }
0x49: {  	[sflag:s31] =	ssyncset.done $0x0  }
0x4a: {  	[sflag:s31] =	ssyncadd.s32 $0xFFFFFF80  }
0x4b: {  	_ =	swait.ge [sflag:s31], $0x80  }
0x4c: {  	[sflag:s31] =	ssyncset.done $0x0  }
0x4d: {  	[sflag:s31] =	ssyncadd.s32 $0xFFFFFF80  }
0x4e: {  	_ =	swait.ge [sflag:s31], $0x80  }
0x4f: {  	[sflag:s31] =	ssyncset.done $0x0  }
0x50: {  	[sflag:s31] =	ssyncadd.s32 $0xFFFFFF80  }
0x51: {  	_ =	swait.ge [sflag:s31], $0x80  }
0x52: {  	[sflag:s31] =	ssyncset.done $0x0  }
0x53: {  	[sflag:s31] =	ssyncadd.s32 $0xFFFFFF80  }
0x54: {  	_ =	swait.ge [sflag:s31], $0x80  }
0x55: {  	[sflag:s31] =	ssyncset.done $0x0  }
0x56: {  	[sflag:s31] =	ssyncadd.s32 $0xFFFFFF80  }
0x57: {  	_ =	swait.ge [sflag:s31], $0x80  }
0x58: {  	[sflag:s31] =	ssyncset.done $0x0  }
0x59: {  	[sflag:s31] =	ssyncadd.s32 $0xFFFFFF80  }
0x5a: {  	_ =	swait.ge [sflag:s31], $0x80  }
0x5b: {  	[sflag:s31] =	ssyncset.done $0x0  }
0x5c: {  	[sflag:s31] =	ssyncadd.s32 $0xFFFFFF80  }
0x5d: {  	_ =	swait.ge [sflag:s31], $0x80  }
0x5e: {  	[sflag:s31] =	ssyncset.done $0x0  }
0x5f: {  	[sflag:s31] =	ssyncadd.s32 $0xFFFFFF80  }
0x60: {  	s14 =	simm.s32 $0x0;
	v0 =	vld [tilespmem:$0x10800]  }
0x61: {  	v1 =	vld [tilespmem:s14+$0x10400]  }
0x62: {  	v2 =	vld [tilespmem:s14+$0x10600]  }
0x63: {  	v3 =	vld [tilespmem:s14+$0x400]  }
0x64: {  	v4 =	vld [tilespmem:s14+$0x8400]  }
0x65: {  	v5 =	vld [tilespmem:s14+$0x600]  }
0x66: {  	v6 =	vld [tilespmem:s14+$0x8600]  }
0x67: {  	v7 =	vld [tilespmem:s14+$0x8800];
	v1 =	vadd.f32 v2, v1  }
0x68: {  	v2 =	vld [tilespmem:s14+$0x800]  }
0x69: {  	v8 =	vld [tilespmem:s14+$0x8A00];
	v3 =	vmul.f32 v4, v3;
	v1 =	vadd.f32 v1, v0  }
0x6a: {  	v4 =	vld [tilespmem:s14+$0xA00]  }
0x6b: {  	v1 =	vadd.f32 v3, v1;
	v3 =	vmul.f32 v6, v5;
	v5 =	vld [tilespmem:s14+$0xC00]  }
0x6c: {  	v6 =	vld [tilespmem:s14+$0x8C00]  }
0x6d: {  	v2 =	vmul.f32 v7, v2;
	v7 =	vld [tilespmem:s14+$0x8E00];
	v1 =	vadd.f32 v3, v1  }
0x6e: {  	v3 =	vld [tilespmem:s14+$0xE00]  }
0x6f: {  	v1 =	vadd.f32 v2, v1;
	v2 =	vmul.f32 v8, v4;
	v4 =	vld [tilespmem:s14+$0x1000]  }
0x70: {  	v8 =	vld [tilespmem:s14+$0x9000]  }
0x71: {  	v1 =	vadd.f32 v2, v1;
	v2 =	vmul.f32 v6, v5;
	v5 =	vld [tilespmem:s14+$0x1200]  }
0x72: {  	v6 =	vld [tilespmem:s14+$0x9200]  }
0x73: {  	v1 =	vadd.f32 v2, v1;
	v2 =	vmul.f32 v7, v3;
	v3 =	vld [tilespmem:s14+$0x1400]  }
0x74: {  	v7 =	vld [tilespmem:s14+$0x9400]  }
0x75: {  	v1 =	vadd.f32 v2, v1;
	v2 =	vmul.f32 v8, v4;
	v4 =	vld [tilespmem:s14+$0x1600]  }
0x76: {  	v8 =	vld [tilespmem:s14+$0x9600]  }
0x77: {  	v1 =	vadd.f32 v2, v1;
	v2 =	vmul.f32 v6, v5;
	v5 =	vld [tilespmem:s14+$0x1800]  }
0x78: {  	v6 =	vld [tilespmem:s14+$0x9800]  }
0x79: {  	v1 =	vadd.f32 v2, v1;
	v2 =	vmul.f32 v7, v3;
	v3 =	vld [tilespmem:s14+$0x1A00]  }
0x7a: {  	v7 =	vld [tilespmem:s14+$0x9A00]  }
0x7b: {  	v1 =	vadd.f32 v2, v1;
	v2 =	vmul.f32 v8, v4;
	v4 =	vld [tilespmem:s14+$0x1C00]  }
0x7c: {  	v8 =	vld [tilespmem:s14+$0x9C00]  }
0x7d: {  	v1 =	vadd.f32 v2, v1;
	v2 =	vmul.f32 v6, v5;
	v5 =	vld [tilespmem:s14+$0x1E00]  }
0x7e: {  	v6 =	vld [tilespmem:s14+$0x9E00]  }
0x7f: {  	v1 =	vadd.f32 v2, v1;
	v2 =	vmul.f32 v7, v3;
	v3 =	vld [tilespmem:s14+$0x2000]  }
0x80: {  	v7 =	vld [tilespmem:s14+$0xA000]  }
0x81: {  	v1 =	vadd.f32 v2, v1;
	v2 =	vmul.f32 v8, v4;
	v4 =	vld [tilespmem:s14+$0x2200]  }
0x82: {  	v8 =	vld [tilespmem:s14+$0xA200]  }
0x83: {  	v1 =	vadd.f32 v2, v1;
	v2 =	vmul.f32 v6, v5;
	v5 =	vld [tilespmem:s14+$0x2400]  }
0x84: {  	v6 =	vld [tilespmem:s14+$0xA400]  }
0x85: {  	v1 =	vadd.f32 v2, v1;
	v2 =	vmul.f32 v7, v3;
	v3 =	vld [tilespmem:s14+$0x2600]  }
0x86: {  	v7 =	vld [tilespmem:s14+$0xA600]  }
0x87: {  	v1 =	vadd.f32 v2, v1;
	v2 =	vmul.f32 v8, v4;
	v4 =	vld [tilespmem:s14+$0x2800]  }
0x88: {  	v8 =	vld [tilespmem:s14+$0xA800]  }
0x89: {  	v1 =	vadd.f32 v2, v1;
	v2 =	vmul.f32 v6, v5;
	v5 =	vld [tilespmem:s14+$0x2A00]  }
0x8a: {  	v6 =	vld [tilespmem:s14+$0xAA00]  }
0x8b: {  	v1 =	vadd.f32 v2, v1;
	v2 =	vmul.f32 v7, v3;
	v3 =	vld [tilespmem:s14+$0x2C00]  }
0x8c: {  	v7 =	vld [tilespmem:s14+$0xAC00]  }
0x8d: {  	v1 =	vadd.f32 v2, v1;
	v2 =	vmul.f32 v8, v4;
	v4 =	vld [tilespmem:s14+$0x2E00]  }
0x8e: {  	v8 =	vld [tilespmem:s14+$0xAE00]  }
0x8f: {  	v1 =	vadd.f32 v2, v1;
	v2 =	vmul.f32 v6, v5;
	v5 =	vld [tilespmem:s14+$0x3000]  }
0x90: {  	v6 =	vld [tilespmem:s14+$0xB000]  }
0x91: {  	v1 =	vadd.f32 v2, v1;
	v2 =	vmul.f32 v7, v3;
	v3 =	vld [tilespmem:s14+$0x3200]  }
0x92: {  	v7 =	vld [tilespmem:s14+$0xB200]  }
0x93: {  	v1 =	vadd.f32 v2, v1;
	v2 =	vmul.f32 v8, v4;
	v4 =	vld [tilespmem:s14+$0x3400]  }
0x94: {  	v8 =	vld [tilespmem:s14+$0xB400]  }
0x95: {  	v1 =	vadd.f32 v2, v1;
	v2 =	vmul.f32 v6, v5;
	v5 =	vld [tilespmem:s14+$0x3600]  }
0x96: {  	v6 =	vld [tilespmem:s14+$0xB600]  }
0x97: {  	v1 =	vadd.f32 v2, v1;
	v2 =	vmul.f32 v7, v3;
	v3 =	vld [tilespmem:s14+$0x3800]  }
0x98: {  	v7 =	vld [tilespmem:s14+$0xB800]  }
0x99: {  	v1 =	vadd.f32 v2, v1;
	v2 =	vmul.f32 v8, v4;
	v4 =	vld [tilespmem:s14+$0x3A00]  }
0x9a: {  	v8 =	vld [tilespmem:s14+$0xBA00]  }
0x9b: {  	v1 =	vadd.f32 v2, v1;
	v2 =	vmul.f32 v6, v5;
	v5 =	vld [tilespmem:s14+$0x3C00]  }
0x9c: {  	v6 =	vld [tilespmem:s14+$0xBC00]  }
0x9d: {  	v1 =	vadd.f32 v2, v1;
	v2 =	vmul.f32 v7, v3;
	v3 =	vld [tilespmem:s14+$0x3E00]  }
0x9e: {  	v7 =	vld [tilespmem:s14+$0xBE00]  }
0x9f: {  	v1 =	vadd.f32 v2, v1;
	v2 =	vmul.f32 v8, v4;
	v4 =	vld [tilespmem:s14+$0x4000]  }
0xa0: {  	v8 =	vld [tilespmem:s14+$0xC000]  }
0xa1: {  	v1 =	vadd.f32 v2, v1;
	v2 =	vmul.f32 v6, v5;
	v5 =	vld [tilespmem:s14+$0x4200]  }
0xa2: {  	v6 =	vld [tilespmem:s14+$0xC200]  }
0xa3: {  	v1 =	vadd.f32 v2, v1;
	v2 =	vmul.f32 v7, v3;
	v3 =	vld [tilespmem:s14+$0x4400]  }
0xa4: {  	v7 =	vld [tilespmem:s14+$0xC400]  }
0xa5: {  	v1 =	vadd.f32 v2, v1;
	v2 =	vmul.f32 v8, v4;
	v4 =	vld [tilespmem:s14+$0x4600]  }
0xa6: {  	v8 =	vld [tilespmem:s14+$0xC600]  }
0xa7: {  	v1 =	vadd.f32 v2, v1;
	v2 =	vmul.f32 v6, v5;
	v5 =	vld [tilespmem:s14+$0x4800]  }
0xa8: {  	v6 =	vld [tilespmem:s14+$0xC800]  }
0xa9: {  	v1 =	vadd.f32 v2, v1;
	v2 =	vmul.f32 v7, v3;
	v3 =	vld [tilespmem:s14+$0x4A00]  }
0xaa: {  	v7 =	vld [tilespmem:s14+$0xCA00]  }
0xab: {  	v1 =	vadd.f32 v2, v1;
	v2 =	vmul.f32 v8, v4;
	v4 =	vld [tilespmem:s14+$0x4C00]  }
0xac: {  	v8 =	vld [tilespmem:s14+$0xCC00]  }
0xad: {  	v1 =	vadd.f32 v2, v1;
	v2 =	vmul.f32 v6, v5;
	v5 =	vld [tilespmem:s14+$0x4E00]  }
0xae: {  	v6 =	vld [tilespmem:s14+$0xCE00]  }
0xaf: {  	v1 =	vadd.f32 v2, v1;
	v2 =	vmul.f32 v7, v3;
	v3 =	vld [tilespmem:s14+$0x5000]  }
0xb0: {  	v7 =	vld [tilespmem:s14+$0xD000]  }
0xb1: {  	v1 =	vadd.f32 v2, v1;
	v2 =	vmul.f32 v8, v4;
	v4 =	vld [tilespmem:s14+$0x5200]  }
0xb2: {  	v8 =	vld [tilespmem:s14+$0xD200]  }
0xb3: {  	v1 =	vadd.f32 v2, v1;
	v2 =	vmul.f32 v6, v5;
	v5 =	vld [tilespmem:s14+$0x5400]  }
0xb4: {  	v6 =	vld [tilespmem:s14+$0xD400]  }
0xb5: {  	v1 =	vadd.f32 v2, v1;
	v2 =	vmul.f32 v7, v3;
	v3 =	vld [tilespmem:s14+$0x5600]  }
0xb6: {  	v7 =	vld [tilespmem:s14+$0xD600]  }
0xb7: {  	v1 =	vadd.f32 v2, v1;
	v2 =	vmul.f32 v8, v4;
	v4 =	vld [tilespmem:s14+$0x5800]  }
0xb8: {  	v8 =	vld [tilespmem:s14+$0xD800]  }
0xb9: {  	v1 =	vadd.f32 v2, v1;
	v2 =	vmul.f32 v6, v5;
	v5 =	vld [tilespmem:s14+$0x5A00]  }
0xba: {  	v6 =	vld [tilespmem:s14+$0xDA00]  }
0xbb: {  	v1 =	vadd.f32 v2, v1;
	v2 =	vmul.f32 v7, v3;
	v3 =	vld [tilespmem:s14+$0x5C00]  }
0xbc: {  	v7 =	vld [tilespmem:s14+$0xDC00]  }
0xbd: {  	v1 =	vadd.f32 v2, v1;
	v2 =	vmul.f32 v8, v4;
	v4 =	vld [tilespmem:s14+$0x5E00]  }
0xbe: {  	v8 =	vld [tilespmem:s14+$0xDE00]  }
0xbf: {  	v1 =	vadd.f32 v2, v1;
	v2 =	vmul.f32 v6, v5;
	v5 =	vld [tilespmem:s14+$0x6000]  }
0xc0: {  	v6 =	vld [tilespmem:s14+$0xE000]  }
0xc1: {  	v1 =	vadd.f32 v2, v1;
	v2 =	vmul.f32 v7, v3;
	v3 =	vld [tilespmem:s14+$0x6200]  }
0xc2: {  	v7 =	vld [tilespmem:s14+$0xE200]  }
0xc3: {  	v1 =	vadd.f32 v2, v1;
	v2 =	vmul.f32 v8, v4;
	v4 =	vld [tilespmem:s14+$0x6400]  }
0xc4: {  	v8 =	vld [tilespmem:s14+$0xE400]  }
0xc5: {  	v1 =	vadd.f32 v2, v1;
	v2 =	vmul.f32 v6, v5;
	v5 =	vld [tilespmem:s14+$0x6600]  }
0xc6: {  	v6 =	vld [tilespmem:s14+$0xE600]  }
0xc7: {  	v1 =	vadd.f32 v2, v1;
	v2 =	vmul.f32 v7, v3;
	v3 =	vld [tilespmem:s14+$0x6800]  }
0xc8: {  	v7 =	vld [tilespmem:s14+$0xE800]  }
0xc9: {  	v1 =	vadd.f32 v2, v1;
	v2 =	vmul.f32 v8, v4;
	v4 =	vld [tilespmem:s14+$0x6A00]  }
0xca: {  	v8 =	vld [tilespmem:s14+$0xEA00]  }
0xcb: {  	v1 =	vadd.f32 v2, v1;
	v2 =	vmul.f32 v6, v5;
	v5 =	vld [tilespmem:s14+$0x6C00]  }
0xcc: {  	v6 =	vld [tilespmem:s14+$0xEC00]  }
0xcd: {  	v1 =	vadd.f32 v2, v1;
	v2 =	vmul.f32 v7, v3;
	v3 =	vld [tilespmem:s14+$0x6E00]  }
0xce: {  	v7 =	vld [tilespmem:s14+$0xEE00]  }
0xcf: {  	v1 =	vadd.f32 v2, v1;
	v2 =	vmul.f32 v8, v4;
	v4 =	vld [tilespmem:s14+$0x7000]  }
0xd0: {  	v8 =	vld [tilespmem:s14+$0xF000]  }
0xd1: {  	v1 =	vadd.f32 v2, v1;
	v2 =	vmul.f32 v6, v5;
	v5 =	vld [tilespmem:s14+$0x7200]  }
0xd2: {  	v6 =	vld [tilespmem:s14+$0xF200]  }
0xd3: {  	v1 =	vadd.f32 v2, v1;
	v2 =	vmul.f32 v7, v3;
	v3 =	vld [tilespmem:s14+$0x7400]  }
0xd4: {  	v7 =	vld [tilespmem:s14+$0xF400]  }
0xd5: {  	v1 =	vadd.f32 v2, v1;
	v2 =	vmul.f32 v8, v4;
	v4 =	vld [tilespmem:s14+$0x7600]  }
0xd6: {  	v8 =	vld [tilespmem:s14+$0xF600]  }
0xd7: {  	v1 =	vadd.f32 v2, v1;
	v2 =	vmul.f32 v6, v5;
	v5 =	vld [tilespmem:s14+$0x7800]  }
0xd8: {  	v6 =	vld [tilespmem:s14+$0xF800]  }
0xd9: {  	v1 =	vadd.f32 v2, v1;
	v2 =	vmul.f32 v7, v3;
	v3 =	vld [tilespmem:s14+$0x7A00]  }
0xda: {  	v7 =	vld [tilespmem:s14+$0xFA00]  }
0xdb: {  	v9 =	vld [tilespmem:s14+$0xFC00];
	v1 =	vadd.f32 v2, v1;
	v2 =	vmul.f32 v8, v4  }
0xdc: {  	v8 =	vld [tilespmem:s14+$0x7C00]  }
0xdd: {  	v10 =	vld [tilespmem:s14+$0x7E00];
	v1 =	vadd.f32 v2, v1;
	v2 =	vmul.f32 v6, v5  }
0xde: {  	v11 =	vld [tilespmem:s14+$0xFE00]  }
0xdf: {  	v4 =	vld [tilespmem:s14+$0x10000];
	v3 =	vmul.f32 v7, v3;
	v2 =	vadd.f32 v2, v1  }
0xe0: {  	v1 =	vld [tilespmem:s14+$0x8000]  }
0xe1: {  	v5 =	vld [tilespmem:s14+$0x10200];
	v7 =	vmul.f32 v9, v8;
	v6 =	vadd.f32 v3, v2  }
0xe2: {  	s17 =	simm.s32 $0x10;
	v2 =	vld [tilespmem:s14+$0x8200]  }
0xe3: {  	s16 =	simm.s32 $0x80;
	v3 =	vld [tilespmem:s17+$0x10400];
	v6 =	vadd.f32 v7, v6;
	v7 =	vmul.f32 v11, v10  }
.LBB2_6:
0xe4: {  	p0 =	sne.s32 s16, $0x7C0;
	v8 =	vld [tilespmem:s17+$0x10600]  }
0xe5: {  	v9 =	vld [tilespmem:s17+$0x400];
	v6 =	vadd.f32 v7, v6;
	v1 =	vmul.f32 v4, v1  }
0xe6: {  	v4 =	vld [tilespmem:s17+$0x8400]  }
0xe7: {  	v7 =	vld [tilespmem:s17+$0x600];
	v1 =	vadd.f32 v1, v6;
	v2 =	vmul.f32 v5, v2  }
0xe8: {  	v5 =	vld [tilespmem:s17+$0x8600]  }
0xe9: {  	v3 =	vadd.f32 v8, v3;
	v6 =	vld [tilespmem:s17+$0x800];
	v1 =	vadd.f32 v2, v1  }
0xea: {  	v2 =	vld [tilespmem:s17+$0x8800]  }
0xeb: {  	v3 =	vadd.f32 v3, v0;
	v4 =	vmul.f32 v4, v9;
	v8 =	vld [tilespmem:s17+$0xA00];
	[tilespmem:s14+$0x10810] =	vst v1;
	s14 =	smov.u32 s17  }
0xec: {  	v1 =	vld [tilespmem:s14+$0x8A00]  }
0xed: {  	v3 =	vadd.f32 v4, v3;
	v4 =	vmul.f32 v5, v7;
	v5 =	vld [tilespmem:s14+$0xC00]  }
0xee: {  	v7 =	vld [tilespmem:s14+$0x8C00]  }
0xef: {  	v3 =	vadd.f32 v4, v3;
	v2 =	vmul.f32 v2, v6;
	v4 =	vld [tilespmem:s14+$0xE00]  }
0xf0: {  	v6 =	vld [tilespmem:s14+$0x8E00]  }
0xf1: {  	v2 =	vadd.f32 v2, v3;
	v1 =	vmul.f32 v1, v8;
	v3 =	vld [tilespmem:s14+$0x1000]  }
0xf2: {  	v8 =	vld [tilespmem:s14+$0x9000]  }
0xf3: {  	v1 =	vadd.f32 v1, v2;
	v2 =	vmul.f32 v7, v5;
	v5 =	vld [tilespmem:s14+$0x1200]  }
0xf4: {  	v7 =	vld [tilespmem:s14+$0x9200]  }
0xf5: {  	v1 =	vadd.f32 v2, v1;
	v2 =	vmul.f32 v6, v4;
	v4 =	vld [tilespmem:s14+$0x1400]  }
0xf6: {  	v6 =	vld [tilespmem:s14+$0x9400]  }
0xf7: {  	v1 =	vadd.f32 v2, v1;
	v2 =	vmul.f32 v8, v3;
	v3 =	vld [tilespmem:s14+$0x1600]  }
0xf8: {  	v8 =	vld [tilespmem:s14+$0x9600]  }
0xf9: {  	v1 =	vadd.f32 v2, v1;
	v2 =	vmul.f32 v7, v5;
	v5 =	vld [tilespmem:s14+$0x1800]  }
0xfa: {  	v7 =	vld [tilespmem:s14+$0x9800]  }
0xfb: {  	v1 =	vadd.f32 v2, v1;
	v2 =	vmul.f32 v6, v4;
	v4 =	vld [tilespmem:s14+$0x1A00]  }
0xfc: {  	v6 =	vld [tilespmem:s14+$0x9A00]  }
0xfd: {  	v1 =	vadd.f32 v2, v1;
	v2 =	vmul.f32 v8, v3;
	v3 =	vld [tilespmem:s14+$0x1C00]  }
0xfe: {  	v8 =	vld [tilespmem:s14+$0x9C00]  }
0xff: {  	v1 =	vadd.f32 v2, v1;
	v2 =	vmul.f32 v7, v5;
	v5 =	vld [tilespmem:s14+$0x1E00]  }
0x100: {  	v7 =	vld [tilespmem:s14+$0x9E00]  }
0x101: {  	v1 =	vadd.f32 v2, v1;
	v2 =	vmul.f32 v6, v4;
	v4 =	vld [tilespmem:s14+$0x2000]  }
0x102: {  	v6 =	vld [tilespmem:s14+$0xA000]  }
0x103: {  	v1 =	vadd.f32 v2, v1;
	v2 =	vmul.f32 v8, v3;
	v3 =	vld [tilespmem:s14+$0x2200]  }
0x104: {  	v8 =	vld [tilespmem:s14+$0xA200]  }
0x105: {  	v1 =	vadd.f32 v2, v1;
	v2 =	vmul.f32 v7, v5;
	v5 =	vld [tilespmem:s14+$0x2400]  }
0x106: {  	v7 =	vld [tilespmem:s14+$0xA400]  }
0x107: {  	v1 =	vadd.f32 v2, v1;
	v2 =	vmul.f32 v6, v4;
	v4 =	vld [tilespmem:s14+$0x2600]  }
0x108: {  	v6 =	vld [tilespmem:s14+$0xA600]  }
0x109: {  	v1 =	vadd.f32 v2, v1;
	v2 =	vmul.f32 v8, v3;
	v3 =	vld [tilespmem:s14+$0x2800]  }
0x10a: {  	v8 =	vld [tilespmem:s14+$0xA800]  }
0x10b: {  	v1 =	vadd.f32 v2, v1;
	v2 =	vmul.f32 v7, v5;
	v5 =	vld [tilespmem:s14+$0x2A00]  }
0x10c: {  	v7 =	vld [tilespmem:s14+$0xAA00]  }
0x10d: {  	v1 =	vadd.f32 v2, v1;
	v2 =	vmul.f32 v6, v4;
	v4 =	vld [tilespmem:s14+$0x2C00]  }
0x10e: {  	v6 =	vld [tilespmem:s14+$0xAC00]  }
0x10f: {  	v1 =	vadd.f32 v2, v1;
	v2 =	vmul.f32 v8, v3;
	v3 =	vld [tilespmem:s14+$0x2E00]  }
0x110: {  	v8 =	vld [tilespmem:s14+$0xAE00]  }
0x111: {  	v1 =	vadd.f32 v2, v1;
	v2 =	vmul.f32 v7, v5;
	v5 =	vld [tilespmem:s14+$0x3000]  }
0x112: {  	v7 =	vld [tilespmem:s14+$0xB000]  }
0x113: {  	v1 =	vadd.f32 v2, v1;
	v2 =	vmul.f32 v6, v4;
	v4 =	vld [tilespmem:s14+$0x3200]  }
0x114: {  	v6 =	vld [tilespmem:s14+$0xB200]  }
0x115: {  	v1 =	vadd.f32 v2, v1;
	v2 =	vmul.f32 v8, v3;
	v3 =	vld [tilespmem:s14+$0x3400]  }
0x116: {  	v8 =	vld [tilespmem:s14+$0xB400]  }
0x117: {  	v1 =	vadd.f32 v2, v1;
	v2 =	vmul.f32 v7, v5;
	v5 =	vld [tilespmem:s14+$0x3600]  }
0x118: {  	v7 =	vld [tilespmem:s14+$0xB600]  }
0x119: {  	v1 =	vadd.f32 v2, v1;
	v2 =	vmul.f32 v6, v4;
	v4 =	vld [tilespmem:s14+$0x3800]  }
0x11a: {  	v6 =	vld [tilespmem:s14+$0xB800]  }
0x11b: {  	v1 =	vadd.f32 v2, v1;
	v2 =	vmul.f32 v8, v3;
	v3 =	vld [tilespmem:s14+$0x3A00]  }
0x11c: {  	v8 =	vld [tilespmem:s14+$0xBA00]  }
0x11d: {  	v1 =	vadd.f32 v2, v1;
	v2 =	vmul.f32 v7, v5;
	v5 =	vld [tilespmem:s14+$0x3C00]  }
0x11e: {  	v7 =	vld [tilespmem:s14+$0xBC00]  }
0x11f: {  	v1 =	vadd.f32 v2, v1;
	v2 =	vmul.f32 v6, v4;
	v4 =	vld [tilespmem:s14+$0x3E00]  }
0x120: {  	v6 =	vld [tilespmem:s14+$0xBE00]  }
0x121: {  	v1 =	vadd.f32 v2, v1;
	v2 =	vmul.f32 v8, v3;
	v3 =	vld [tilespmem:s14+$0x4000]  }
0x122: {  	v8 =	vld [tilespmem:s14+$0xC000]  }
0x123: {  	v1 =	vadd.f32 v2, v1;
	v2 =	vmul.f32 v7, v5;
	v5 =	vld [tilespmem:s14+$0x4200]  }
0x124: {  	v7 =	vld [tilespmem:s14+$0xC200]  }
0x125: {  	v1 =	vadd.f32 v2, v1;
	v2 =	vmul.f32 v6, v4;
	v4 =	vld [tilespmem:s14+$0x4400]  }
0x126: {  	v6 =	vld [tilespmem:s14+$0xC400]  }
0x127: {  	v1 =	vadd.f32 v2, v1;
	v2 =	vmul.f32 v8, v3;
	v3 =	vld [tilespmem:s14+$0x4600]  }
0x128: {  	v8 =	vld [tilespmem:s14+$0xC600]  }
0x129: {  	v1 =	vadd.f32 v2, v1;
	v2 =	vmul.f32 v7, v5;
	v5 =	vld [tilespmem:s14+$0x4800]  }
0x12a: {  	v7 =	vld [tilespmem:s14+$0xC800]  }
0x12b: {  	v1 =	vadd.f32 v2, v1;
	v2 =	vmul.f32 v6, v4;
	v4 =	vld [tilespmem:s14+$0x4A00]  }
0x12c: {  	v6 =	vld [tilespmem:s14+$0xCA00]  }
0x12d: {  	v1 =	vadd.f32 v2, v1;
	v2 =	vmul.f32 v8, v3;
	v3 =	vld [tilespmem:s14+$0x4C00]  }
0x12e: {  	v8 =	vld [tilespmem:s14+$0xCC00]  }
0x12f: {  	v1 =	vadd.f32 v2, v1;
	v2 =	vmul.f32 v7, v5;
	v5 =	vld [tilespmem:s14+$0x4E00]  }
0x130: {  	v7 =	vld [tilespmem:s14+$0xCE00]  }
0x131: {  	v1 =	vadd.f32 v2, v1;
	v2 =	vmul.f32 v6, v4;
	v4 =	vld [tilespmem:s14+$0x5000]  }
0x132: {  	v6 =	vld [tilespmem:s14+$0xD000]  }
0x133: {  	v1 =	vadd.f32 v2, v1;
	v2 =	vmul.f32 v8, v3;
	v3 =	vld [tilespmem:s14+$0x5200]  }
0x134: {  	v8 =	vld [tilespmem:s14+$0xD200]  }
0x135: {  	v1 =	vadd.f32 v2, v1;
	v2 =	vmul.f32 v7, v5;
	v5 =	vld [tilespmem:s14+$0x5400]  }
0x136: {  	v7 =	vld [tilespmem:s14+$0xD400]  }
0x137: {  	v1 =	vadd.f32 v2, v1;
	v2 =	vmul.f32 v6, v4;
	v4 =	vld [tilespmem:s14+$0x5600]  }
0x138: {  	v6 =	vld [tilespmem:s14+$0xD600]  }
0x139: {  	v1 =	vadd.f32 v2, v1;
	v2 =	vmul.f32 v8, v3;
	v3 =	vld [tilespmem:s14+$0x5800]  }
0x13a: {  	v8 =	vld [tilespmem:s14+$0xD800]  }
0x13b: {  	v1 =	vadd.f32 v2, v1;
	v2 =	vmul.f32 v7, v5;
	v5 =	vld [tilespmem:s14+$0x5A00]  }
0x13c: {  	v7 =	vld [tilespmem:s14+$0xDA00]  }
0x13d: {  	v1 =	vadd.f32 v2, v1;
	v2 =	vmul.f32 v6, v4;
	v4 =	vld [tilespmem:s14+$0x5C00]  }
0x13e: {  	v6 =	vld [tilespmem:s14+$0xDC00]  }
0x13f: {  	v1 =	vadd.f32 v2, v1;
	v2 =	vmul.f32 v8, v3;
	v3 =	vld [tilespmem:s14+$0x5E00]  }
0x140: {  	v8 =	vld [tilespmem:s14+$0xDE00]  }
0x141: {  	v1 =	vadd.f32 v2, v1;
	v2 =	vmul.f32 v7, v5;
	v5 =	vld [tilespmem:s14+$0x6000]  }
0x142: {  	v7 =	vld [tilespmem:s14+$0xE000]  }
0x143: {  	v1 =	vadd.f32 v2, v1;
	v2 =	vmul.f32 v6, v4;
	v4 =	vld [tilespmem:s14+$0x6200]  }
0x144: {  	v6 =	vld [tilespmem:s14+$0xE200]  }
0x145: {  	v1 =	vadd.f32 v2, v1;
	v2 =	vmul.f32 v8, v3;
	v3 =	vld [tilespmem:s14+$0x6400]  }
0x146: {  	v8 =	vld [tilespmem:s14+$0xE400]  }
0x147: {  	v1 =	vadd.f32 v2, v1;
	v2 =	vmul.f32 v7, v5;
	v5 =	vld [tilespmem:s14+$0x6600]  }
0x148: {  	v7 =	vld [tilespmem:s14+$0xE600]  }
0x149: {  	v1 =	vadd.f32 v2, v1;
	v2 =	vmul.f32 v6, v4;
	v4 =	vld [tilespmem:s14+$0x6800]  }
0x14a: {  	v6 =	vld [tilespmem:s14+$0xE800]  }
0x14b: {  	v1 =	vadd.f32 v2, v1;
	v2 =	vmul.f32 v8, v3;
	v3 =	vld [tilespmem:s14+$0x6A00]  }
0x14c: {  	v8 =	vld [tilespmem:s14+$0xEA00]  }
0x14d: {  	v1 =	vadd.f32 v2, v1;
	v2 =	vmul.f32 v7, v5;
	v5 =	vld [tilespmem:s14+$0x6C00]  }
0x14e: {  	v7 =	vld [tilespmem:s14+$0xEC00]  }
0x14f: {  	v1 =	vadd.f32 v2, v1;
	v2 =	vmul.f32 v6, v4;
	v4 =	vld [tilespmem:s14+$0x6E00]  }
0x150: {  	v6 =	vld [tilespmem:s14+$0xEE00]  }
0x151: {  	v1 =	vadd.f32 v2, v1;
	v2 =	vmul.f32 v8, v3;
	v3 =	vld [tilespmem:s14+$0x7000]  }
0x152: {  	v8 =	vld [tilespmem:s14+$0xF000]  }
0x153: {  	v1 =	vadd.f32 v2, v1;
	v2 =	vmul.f32 v7, v5;
	v5 =	vld [tilespmem:s14+$0x7200]  }
0x154: {  	v7 =	vld [tilespmem:s14+$0xF200]  }
0x155: {  	v1 =	vadd.f32 v2, v1;
	v2 =	vmul.f32 v6, v4;
	v4 =	vld [tilespmem:s14+$0x7400]  }
0x156: {  	v6 =	vld [tilespmem:s14+$0xF400]  }
0x157: {  	v1 =	vadd.f32 v2, v1;
	v2 =	vmul.f32 v8, v3;
	v3 =	vld [tilespmem:s14+$0x7600]  }
0x158: {  	v8 =	vld [tilespmem:s14+$0xF600]  }
0x159: {  	v1 =	vadd.f32 v2, v1;
	v2 =	vmul.f32 v7, v5;
	v5 =	vld [tilespmem:s14+$0x7800]  }
0x15a: {  	v7 =	vld [tilespmem:s14+$0xF800]  }
0x15b: {  	v1 =	vadd.f32 v2, v1;
	v2 =	vmul.f32 v6, v4;
	v4 =	vld [tilespmem:s14+$0x7A00]  }
0x15c: {  	v6 =	vld [tilespmem:s14+$0xFA00]  }
0x15d: {  	v1 =	vadd.f32 v2, v1;
	v2 =	vmul.f32 v8, v3;
	v3 =	vld [tilespmem:s14+$0x7C00]  }
0x15e: {  	v8 =	vld [tilespmem:s14+$0xFC00]  }
0x15f: {  	v1 =	vadd.f32 v2, v1;
	v2 =	vmul.f32 v7, v5;
	v7 =	vld [tilespmem:s14+$0x7E00]  }
0x160: {  	v9 =	vld [tilespmem:s14+$0xFE00]  }
.Ltmp2:
0x161: {  	v2 =	vadd.f32 v2, v1;
	v5 =	vmul.f32 v6, v4;
	v1 =	vld [tilespmem:s14+$0x8000];
	(pc) =	sbr.rel @p0 .LBB2_6-.Ltmp2, $4  }
0x162: {  	v4 =	vld [tilespmem:s14+$0x10000]  }
0x163: {  	v6 =	vadd.f32 v5, v2;
	v8 =	vmul.f32 v8, v3;
	v2 =	vld [tilespmem:s14+$0x8200]  }
0x164: {  	s17 =	sshra.s32 s16, $0x2;
	v5 =	vld [tilespmem:s14+$0x10200]  }
0x165: {  	s16 =	sadd.s32 $0x40, s16;
	v3 =	vld [tilespmem:s17+$0x10400];
	v6 =	vadd.f32 v8, v6;
	v7 =	vmul.f32 v9, v7  }
0x166: {  	v8 =	vld [tilespmem:s17+$0x10600]  }
0x167: {  	v9 =	vld [tilespmem:s17+$0x400];
	v6 =	vadd.f32 v7, v6;
	v1 =	vmul.f32 v4, v1  }
0x168: {  	v42 =	vld [tilespmem:s17+$0x8400]  }
0x169: {  	v43 =	vld [tilespmem:s17+$0x600];
	v1 =	vadd.f32 v1, v6;
	v2 =	vmul.f32 v5, v2  }
0x16a: {  	v44 =	vld [tilespmem:s17+$0x8600]  }
0x16b: {  	v45 =	vld [tilespmem:s17+$0x800];
	v3 =	vadd.f32 v8, v3;
	v1 =	vadd.f32 v2, v1  }
0x16c: {  	v46 =	vld [tilespmem:s17+$0x8800]  }
0x16d: {  	v47 =	vld [tilespmem:s17+$0xA00];
	v48 =	vmul.f32 v42, v9;
	v0 =	vadd.f32 v3, v0;
	[tilespmem:s14+$0x10810] =	vst v1  }
0x16e: {  	v1 =	vld [tilespmem:s17+$0x8A00]  }
0x16f: {  	v49 =	vmul.f32 v44, v43;
	v50 =	vld [tilespmem:s17+$0xC00];
	v0 =	vadd.f32 v48, v0  }
0x170: {  	v51 =	vld [tilespmem:s17+$0x8C00]  }
0x171: {  	v2 =	vmul.f32 v46, v45;
	v52 =	vld [tilespmem:s17+$0xE00];
	v0 =	vadd.f32 v49, v0  }
0x172: {  	v53 =	vld [tilespmem:s17+$0x8E00]  }
0x173: {  	v54 =	vld [tilespmem:s17+$0x1000];
	v0 =	vadd.f32 v2, v0;
	v1 =	vmul.f32 v1, v47  }
0x174: {  	v55 =	vld [tilespmem:s17+$0x9000]  }
0x175: {  	v57 =	vld [tilespmem:s17+$0x1200];
	v56 =	vmul.f32 v51, v50;
	v0 =	vadd.f32 v1, v0  }
0x176: {  	v58 =	vld [tilespmem:s17+$0x9200]  }
0x177: {  	v60 =	vld [tilespmem:s17+$0x1400];
	v59 =	vmul.f32 v53, v52;
	v0 =	vadd.f32 v56, v0  }
0x178: {  	v61 =	vld [tilespmem:s17+$0x9400]  }
0x179: {  	v63 =	vld [tilespmem:s17+$0x1600];
	v62 =	vmul.f32 v55, v54;
	v0 =	vadd.f32 v59, v0  }
0x17a: {  	v9 =	vld [tilespmem:s17+$0x9600]  }
0x17b: {  	v11 =	vld [tilespmem:s17+$0x1800];
	v10 =	vmul.f32 v58, v57;
	v0 =	vadd.f32 v62, v0  }
0x17c: {  	v12 =	vld [tilespmem:s17+$0x9800]  }
0x17d: {  	v14 =	vld [tilespmem:s17+$0x1A00];
	v13 =	vmul.f32 v61, v60;
	v0 =	vadd.f32 v10, v0  }
0x17e: {  	v15 =	vld [tilespmem:s17+$0x9A00]  }
0x17f: {  	v17 =	vld [tilespmem:s17+$0x1C00];
	v16 =	vmul.f32 v9, v63;
	v0 =	vadd.f32 v13, v0  }
0x180: {  	v18 =	vld [tilespmem:s17+$0x9C00]  }
0x181: {  	v20 =	vld [tilespmem:s17+$0x1E00];
	v19 =	vmul.f32 v12, v11;
	v0 =	vadd.f32 v16, v0  }
0x182: {  	v21 =	vld [tilespmem:s17+$0x9E00]  }
0x183: {  	v23 =	vld [tilespmem:s17+$0x2000];
	v22 =	vmul.f32 v15, v14;
	v0 =	vadd.f32 v19, v0  }
0x184: {  	v24 =	vld [tilespmem:s17+$0xA000]  }
0x185: {  	v26 =	vld [tilespmem:s17+$0x2200];
	v25 =	vmul.f32 v18, v17;
	v0 =	vadd.f32 v22, v0  }
0x186: {  	v27 =	vld [tilespmem:s17+$0xA200]  }
0x187: {  	v29 =	vld [tilespmem:s17+$0x2400];
	v28 =	vmul.f32 v21, v20;
	v0 =	vadd.f32 v25, v0  }
0x188: {  	v30 =	vld [tilespmem:s17+$0xA400]  }
0x189: {  	v32 =	vld [tilespmem:s17+$0x2600];
	v31 =	vmul.f32 v24, v23;
	v0 =	vadd.f32 v28, v0  }
0x18a: {  	v33 =	vld [tilespmem:s17+$0xA600]  }
0x18b: {  	v35 =	vld [tilespmem:s17+$0x2800];
	v34 =	vmul.f32 v27, v26;
	v0 =	vadd.f32 v31, v0  }
0x18c: {  	v36 =	vld [tilespmem:s17+$0xA800]  }
0x18d: {  	v38 =	vld [tilespmem:s17+$0x2A00];
	v37 =	vmul.f32 v30, v29;
	v0 =	vadd.f32 v34, v0  }
0x18e: {  	v39 =	vld [tilespmem:s17+$0xAA00]  }
0x18f: {  	v41 =	vld [tilespmem:s17+$0x2C00];
	v40 =	vmul.f32 v33, v32;
	v0 =	vadd.f32 v37, v0  }
0x190: {  	v42 =	vld [tilespmem:s17+$0xAC00]  }
0x191: {  	v44 =	vld [tilespmem:s17+$0x2E00];
	v43 =	vmul.f32 v36, v35;
	v0 =	vadd.f32 v40, v0  }
0x192: {  	v45 =	vld [tilespmem:s17+$0xAE00]  }
0x193: {  	v48 =	vld [tilespmem:s17+$0xB000];
	v46 =	vmul.f32 v39, v38;
	v0 =	vadd.f32 v43, v0  }
0x194: {  	v47 =	vld [tilespmem:s17+$0x3000]  }
0x195: {  	v49 =	vmul.f32 v42, v41;
	v50 =	vld [tilespmem:s17+$0x3200];
	v0 =	vadd.f32 v46, v0  }
0x196: {  	v51 =	vld [tilespmem:s17+$0xB200]  }
0x197: {  	v52 =	vmul.f32 v45, v44;
	v53 =	vld [tilespmem:s17+$0x3400];
	v0 =	vadd.f32 v49, v0  }
0x198: {  	v54 =	vld [tilespmem:s17+$0xB400]  }
0x199: {  	v57 =	vld [tilespmem:s17+$0xB600];
	v55 =	vmul.f32 v48, v47;
	v0 =	vadd.f32 v52, v0  }
0x19a: {  	v56 =	vld [tilespmem:s17+$0x3600]  }
0x19b: {  	v60 =	vld [tilespmem:s17+$0xB800];
	v58 =	vmul.f32 v51, v50;
	v0 =	vadd.f32 v55, v0  }
0x19c: {  	v59 =	vld [tilespmem:s17+$0x3800]  }
0x19d: {  	v63 =	vld [tilespmem:s17+$0xBA00];
	v61 =	vmul.f32 v54, v53;
	v0 =	vadd.f32 v58, v0  }
0x19e: {  	v62 =	vld [tilespmem:s17+$0x3A00]  }
0x19f: {  	v9 =	vld [tilespmem:s17+$0x3C00];
	v8 =	vmul.f32 v57, v56;
	v0 =	vadd.f32 v61, v0  }
0x1a0: {  	v10 =	vld [tilespmem:s17+$0xBC00]  }
0x1a1: {  	v12 =	vld [tilespmem:s17+$0x3E00];
	v11 =	vmul.f32 v60, v59;
	v0 =	vadd.f32 v8, v0  }
0x1a2: {  	v13 =	vld [tilespmem:s17+$0xBE00]  }
0x1a3: {  	v15 =	vld [tilespmem:s17+$0x4000];
	v14 =	vmul.f32 v63, v62;
	v0 =	vadd.f32 v11, v0  }
0x1a4: {  	v16 =	vld [tilespmem:s17+$0xC000]  }
0x1a5: {  	v18 =	vld [tilespmem:s17+$0x4200];
	v17 =	vmul.f32 v10, v9;
	v0 =	vadd.f32 v14, v0  }
0x1a6: {  	v19 =	vld [tilespmem:s17+$0xC200]  }
0x1a7: {  	v21 =	vld [tilespmem:s17+$0x4400];
	v20 =	vmul.f32 v13, v12;
	v0 =	vadd.f32 v17, v0  }
0x1a8: {  	v22 =	vld [tilespmem:s17+$0xC400]  }
0x1a9: {  	v24 =	vld [tilespmem:s17+$0x4600];
	v23 =	vmul.f32 v16, v15;
	v0 =	vadd.f32 v20, v0  }
0x1aa: {  	v25 =	vld [tilespmem:s17+$0xC600]  }
0x1ab: {  	v27 =	vld [tilespmem:s17+$0x4800];
	v26 =	vmul.f32 v19, v18;
	v0 =	vadd.f32 v23, v0  }
0x1ac: {  	v28 =	vld [tilespmem:s17+$0xC800]  }
0x1ad: {  	v30 =	vld [tilespmem:s17+$0x4A00];
	v29 =	vmul.f32 v22, v21;
	v0 =	vadd.f32 v26, v0  }
0x1ae: {  	v31 =	vld [tilespmem:s17+$0xCA00]  }
0x1af: {  	v33 =	vld [tilespmem:s17+$0x4C00];
	v32 =	vmul.f32 v25, v24;
	v0 =	vadd.f32 v29, v0  }
0x1b0: {  	v34 =	vld [tilespmem:s17+$0xCC00]  }
0x1b1: {  	v36 =	vld [tilespmem:s17+$0x4E00];
	v35 =	vmul.f32 v28, v27;
	v0 =	vadd.f32 v32, v0  }
0x1b2: {  	v37 =	vld [tilespmem:s17+$0xCE00]  }
0x1b3: {  	v39 =	vld [tilespmem:s17+$0x5000];
	v38 =	vmul.f32 v31, v30;
	v0 =	vadd.f32 v35, v0  }
0x1b4: {  	v40 =	vld [tilespmem:s17+$0xD000]  }
0x1b5: {  	v42 =	vld [tilespmem:s17+$0x5200];
	v41 =	vmul.f32 v34, v33;
	v0 =	vadd.f32 v38, v0  }
0x1b6: {  	v43 =	vld [tilespmem:s17+$0xD200]  }
0x1b7: {  	v45 =	vld [tilespmem:s17+$0x5400];
	v44 =	vmul.f32 v37, v36;
	v0 =	vadd.f32 v41, v0  }
0x1b8: {  	v46 =	vld [tilespmem:s17+$0xD400]  }
0x1b9: {  	v48 =	vld [tilespmem:s17+$0x5600];
	v47 =	vmul.f32 v40, v39;
	v0 =	vadd.f32 v44, v0  }
0x1ba: {  	v49 =	vld [tilespmem:s17+$0xD600]  }
0x1bb: {  	v51 =	vld [tilespmem:s17+$0x5800];
	v50 =	vmul.f32 v43, v42;
	v0 =	vadd.f32 v47, v0  }
0x1bc: {  	v52 =	vld [tilespmem:s17+$0xD800]  }
0x1bd: {  	v54 =	vld [tilespmem:s17+$0x5A00];
	v53 =	vmul.f32 v46, v45;
	v0 =	vadd.f32 v50, v0  }
0x1be: {  	v55 =	vld [tilespmem:s17+$0xDA00]  }
0x1bf: {  	v57 =	vld [tilespmem:s17+$0x5C00];
	v56 =	vmul.f32 v49, v48;
	v0 =	vadd.f32 v53, v0  }
0x1c0: {  	v58 =	vld [tilespmem:s17+$0xDC00]  }
0x1c1: {  	v60 =	vld [tilespmem:s17+$0x5E00];
	v59 =	vmul.f32 v52, v51;
	v0 =	vadd.f32 v56, v0  }
0x1c2: {  	v61 =	vld [tilespmem:s17+$0xDE00]  }
0x1c3: {  	v63 =	vld [tilespmem:s17+$0x6000];
	v62 =	vmul.f32 v55, v54;
	v0 =	vadd.f32 v59, v0  }
0x1c4: {  	v9 =	vld [tilespmem:s17+$0xE000]  }
0x1c5: {  	v12 =	vld [tilespmem:s17+$0xE200];
	v10 =	vmul.f32 v58, v57;
	v0 =	vadd.f32 v62, v0  }
0x1c6: {  	v11 =	vld [tilespmem:s17+$0x6200]  }
0x1c7: {  	v15 =	vld [tilespmem:s17+$0xE400];
	v13 =	vmul.f32 v61, v60;
	v0 =	vadd.f32 v10, v0  }
0x1c8: {  	v14 =	vld [tilespmem:s17+$0x6400]  }
0x1c9: {  	v16 =	vmul.f32 v9, v63;
	v18 =	vld [tilespmem:s17+$0xE600];
	v0 =	vadd.f32 v13, v0  }
0x1ca: {  	v17 =	vld [tilespmem:s17+$0x6600]  }
0x1cb: {  	v21 =	vld [tilespmem:s17+$0xE800];
	v19 =	vmul.f32 v12, v11;
	v0 =	vadd.f32 v16, v0  }
0x1cc: {  	v20 =	vld [tilespmem:s17+$0x6800]  }
0x1cd: {  	v24 =	vld [tilespmem:s17+$0xEA00];
	v22 =	vmul.f32 v15, v14;
	v0 =	vadd.f32 v19, v0  }
0x1ce: {  	v23 =	vld [tilespmem:s17+$0x6A00]  }
0x1cf: {  	v27 =	vld [tilespmem:s17+$0xEC00];
	v25 =	vmul.f32 v18, v17;
	v0 =	vadd.f32 v22, v0  }
0x1d0: {  	v26 =	vld [tilespmem:s17+$0x6C00]  }
0x1d1: {  	v30 =	vld [tilespmem:s17+$0xEE00];
	v28 =	vmul.f32 v21, v20;
	v0 =	vadd.f32 v25, v0  }
0x1d2: {  	v29 =	vld [tilespmem:s17+$0x6E00]  }
0x1d3: {  	v33 =	vld [tilespmem:s17+$0xF000];
	v31 =	vmul.f32 v24, v23;
	v0 =	vadd.f32 v28, v0  }
0x1d4: {  	v32 =	vld [tilespmem:s17+$0x7000]  }
0x1d5: {  	v36 =	vld [tilespmem:s17+$0xF200];
	v34 =	vmul.f32 v27, v26;
	v0 =	vadd.f32 v31, v0  }
0x1d6: {  	v35 =	vld [tilespmem:s17+$0x7200]  }
0x1d7: {  	v39 =	vld [tilespmem:s17+$0xF400];
	v37 =	vmul.f32 v30, v29;
	v0 =	vadd.f32 v34, v0  }
0x1d8: {  	v38 =	vld [tilespmem:s17+$0x7400]  }
0x1d9: {  	v42 =	vld [tilespmem:s17+$0xF600];
	v40 =	vmul.f32 v33, v32;
	v0 =	vadd.f32 v37, v0  }
0x1da: {  	v41 =	vld [tilespmem:s17+$0x7600]  }
0x1db: {  	v45 =	vld [tilespmem:s17+$0xF800];
	v43 =	vmul.f32 v36, v35;
	v0 =	vadd.f32 v40, v0  }
0x1dc: {  	v44 =	vld [tilespmem:s17+$0x7800]  }
0x1dd: {  	v48 =	vld [tilespmem:s17+$0xFA00];
	v46 =	vmul.f32 v39, v38;
	v0 =	vadd.f32 v43, v0  }
0x1de: {  	v47 =	vld [tilespmem:s17+$0x7A00]  }
0x1df: {  	v51 =	vld [tilespmem:s17+$0xFC00];
	v49 =	vmul.f32 v42, v41;
	v0 =	vadd.f32 v46, v0  }
0x1e0: {  	v50 =	vld [tilespmem:s17+$0x7C00]  }
0x1e1: {  	v54 =	vld [tilespmem:s17+$0xFE00];
	v52 =	vmul.f32 v45, v44;
	v0 =	vadd.f32 v49, v0  }
0x1e2: {  	v53 =	vld [tilespmem:s17+$0x7E00]  }
0x1e3: {  	v57 =	vld [tilespmem:s17+$0x10000];
	v55 =	vmul.f32 v48, v47;
	v0 =	vadd.f32 v52, v0  }
0x1e4: {  	v56 =	vld [tilespmem:s17+$0x8000]  }
0x1e5: {  	v60 =	vld [tilespmem:s17+$0x10200];
	v58 =	vmul.f32 v51, v50;
	v0 =	vadd.f32 v55, v0  }
0x1e6: {  	v59 =	vld [tilespmem:s17+$0x8200]  }
0x1e7: {  	v61 =	vmul.f32 v54, v53;
	v0 =	vadd.f32 v58, v0;
	_ =	sdelay $0x1  }
0x1e8: {  	v62 =	vmul.f32 v57, v56;
	v0 =	vadd.f32 v61, v0;
	_ =	sdelay $0x1  }
0x1e9: {  	v63 =	vmul.f32 v60, v59;
	v0 =	vadd.f32 v62, v0;
	_ =	sdelay $0x1  }
0x1ea: {  	s3 =	sadd.s32 $0x1, s3;
	v0 =	vadd.f32 v63, v0  }
0x1eb: {  	p0 =	sne.s32 s3, s11  }
.Ltmp3:
0x1ec: {  	[tilespmem:s17+$0x10810] =	vst v0;
	(pc) =	sbr.rel @p0 .LBB2_1-.Ltmp3, $4  }
0x1ed: {  	[hbm4b:s10+s2] =	stream.linear.scatter [tilespmem:s0], [sflag:$0x3], $0x200, $0x38;
	[tilespmem:$0x10A10] =	vst v63  }
0x1ee: {  	_ =	swait.ge [sflag:s12], $0x200  }
0x1ef: {  	[sflag:s12] =	ssyncset.done $0x0  }
0x1f0: {  	[sflag:s12] =	ssyncadd.s32 $0xFFFFFE00  }
0x1f1: {  	_ =	sfence.sel $0x180000  }
0x1f2: {  	[bflag:$0x0] =	sbarrier.arrive $0xFFFF  }
0x1f3: {  	_ =	strace $0x90000047  }
0x1f4: {  	s0 =	stileid.u32;
	[bflag:$0x2] =	sbarrier.arrive $0xFFFF  }
0x1f5: {  	p0 =	sne.s32 s0, $0x0;
	s0 =	rddreg [dreg:$0x4]  }
0x1f6: {  	s0 =	sadd.s32 @!p0 $0x100000, s0  }
0x1f7: {  	[sflag:s0] =	ssyncadd.tile.s32 @!p0 $0x1;
	_ =	shalt  }
.Lfunc_end2:
_tile_overlayer_lowered:
.L_overlay_start_2:
0x1f8: {  	(tag) =	ssettag $0x2  }
0x1f9: {  	s0 =	rddreg [dreg:$0x0];
	s2 =	stileid.u32  }
0x1fa: {  	s1 =	rddreg [dreg:$0x1];
	p0 =	sne.s32 s2, $0x0  }
0x1fb: {  	s3 =	rddreg [dreg:$0x2];
	[bflag:$0x3] =	sbarrier.arrive $0xFFFF;
	s2 =	simm.s32 @!p0 $0x1C03  }
0x1fc: {  	[timem:s3], [sflag:s2] =	dma.local @!p0 [hbm:s0], s1  }
0x1fd: {  	s0 =	simm.s32 @!p0 $0x3  }
0x1fe: {  	_ =	swait.ge @!p0 [sflag:s0], s1  }
0x1ff: {  	s1 =	ssub.s32 @!p0 $0x0, s1;
	[sflag:s0] =	ssyncset.done @!p0 $0x0  }
0x200: {  	[sflag:s0] =	ssyncadd.s32 @!p0 s1  }
0x201: {  	[bflag:$0x3] =	sbarrier.arrive $0xFFFF  }
0x202: {  	_ =	shalt  }

</sc_bundles>
